<compile_context>
chip_gen: v7x
topology: tpu7x:2x2x1
jax: 0.10.2.dev20260603
libtpu: 0.0.44.dev20260713+nightly
codegen_flags: <defaults>
</compile_context>

<pallas_src>
import functools

import jax
import jax.numpy as jnp
from jax import lax
from jax.experimental import pallas as pl
from jax.experimental.pallas import tpu as pltpu
from jax.experimental.pallas import tpu_sc as plsc

_CHUNK = 8
_NBUF = 8


def _gather_kernel(n_rows, n_workers, d):
    rows_per_w = n_rows // n_workers
    n_chunks = rows_per_w // _CHUNK
    n_steps = n_chunks // _NBUF
    mesh = plsc.VectorSubcoreMesh(core_axis_name="c", subcore_axis_name="s")

    @functools.partial(
        pl.kernel,
        mesh=mesh,
        out_type=jax.ShapeDtypeStruct((n_rows, d), jnp.float32),
        scratch_types=[
            pltpu.VMEM((n_chunks, _CHUNK), jnp.int32),
            pltpu.VMEM((_NBUF, _CHUNK, d), jnp.float32),
        ] + [pltpu.SemaphoreType.DMA] * (2 * _NBUF),
    )
    def k(pe_hbm, idx_hbm, out_hbm, idx_v, rows_v, *sems):
        gsem = sems[:_NBUF]
        ssem = sems[_NBUF:]
        g0 = gsem[0]
        num_cores = lax.axis_size("c")
        wid = lax.axis_index("s") * num_cores + lax.axis_index("c")
        base = wid * rows_per_w
        pltpu.async_copy(idx_hbm.at[wid], idx_v, g0).wait()
        for b in range(_NBUF):
            pltpu.async_copy(pe_hbm.at[idx_v.at[b]], rows_v.at[b], gsem[b])

        def step(g, carry):
            for b in range(_NBUF):
                c = g * _NBUF + b
                pltpu.make_async_copy(
                    pe_hbm.at[idx_v.at[c]], rows_v.at[b], gsem[b]
                ).wait()
                out_slc = out_hbm.at[pl.ds(base + c * _CHUNK, _CHUNK)]
                pltpu.async_copy(rows_v.at[b], out_slc, ssem[b])

                nxt = c + _NBUF

                @pl.when(nxt < n_chunks)
                def _():
                    pltpu.make_async_copy(rows_v.at[b], out_slc, ssem[b]).wait()
                    pltpu.async_copy(
                        pe_hbm.at[idx_v.at[nxt]], rows_v.at[b], gsem[b]
                    )

            return carry

        lax.fori_loop(0, n_steps, step, 0)
        for b in range(_NBUF):
            pltpu.make_async_copy(
                rows_v.at[b], out_hbm.at[pl.ds(base, _CHUNK)], ssem[b]
            ).wait()

    return k


def kernel(token_positions, pe):
    b, s = token_positions.shape
    v, d = pe.shape
    n = b * s
    info = plsc.get_sparse_core_info()
    n_workers = info.num_cores * info.num_subcores
    rows_per_w = n // n_workers
    idx = token_positions.reshape(n_workers, rows_per_w // _CHUNK, _CHUNK)
    idx = idx.astype(jnp.int32)
    out = _gather_kernel(n, n_workers, d)(pe, idx)
    return out.reshape(b, s, d)

# --- scband reference (transcript-rebuilt; emitter-appended) ---
"""Pipeline reference for scband-sinusoidal-positional-encoding-8727373545562 (READ-ONLY COPY).

The authoritative reference and input builder live on the scoring server;
editing this copy changes nothing except your own understanding.
"""

import jax, jax.numpy as jnp
import numpy as np
import math

D_MODEL = 1024
MAX_SEQ_LEN = 32768

def _build_pe(max_seq_len, d_model):
    positions = jnp.arange(max_seq_len, dtype=jnp.float32)[:, None]
    i = jnp.arange(0, d_model, 2, dtype=jnp.float32)
    div_term = jnp.exp(-math.log(10000.0) * i / d_model)
    pe = jnp.zeros((max_seq_len, d_model), dtype=jnp.float32)
    pe = pe.at[:, 0::2].set(jnp.sin(positions * div_term))
    pe = pe.at[:, 1::2].set(jnp.cos(positions * div_term))
    return pe

def setup_inputs(seed: int = 0) -> dict:
    key = jax.random.key(seed)
    token_positions = jax.random.randint(key, (4, 8192), 0, MAX_SEQ_LEN, dtype=jnp.int64 if jax.config.jax_enable_x64 else jnp.int32)
    pe = _build_pe(MAX_SEQ_LEN, D_MODEL)
    return {"token_positions": token_positions, "pe": pe}

def reference(token_positions, pe):
    # Faithful translation of SinusoidalPositionalEncoding.forward: pe[token_positions]
    return jnp.take(pe, token_positions, axis=0)

if __name__ == "__main__":
    import jax
    _d = setup_inputs()
    print(jax.jit(kernel)(*tuple(_d.values())))

</pallas_src>

<mosaic_0001>
#map = affine_map<(d0, d1) -> (0, 0)>
#map1 = affine_map<(d0, d1) -> (0, 0, 0)>
module attributes {stable_mosaic.version = 14 : i64} {
  func.func @k(%arg0: i32, %arg1: i32, %arg2: memref<32768x1024xf32, #tpu.memory_space<hbm>>, %arg3: memref<32x128x8xi32, #tpu.memory_space<hbm>>, %arg4: memref<32768x1024xf32, #tpu.memory_space<hbm>>, %arg5: memref<128x8xi32, #tpu.memory_space<vmem>>, %arg6: memref<8x8x1024xf32, #tpu.memory_space<vmem>>, %arg7: memref<!tpu.dma_semaphore, #tpu.memory_space<semaphore_mem>>, %arg8: memref<!tpu.dma_semaphore, #tpu.memory_space<semaphore_mem>>, %arg9: memref<!tpu.dma_semaphore, #tpu.memory_space<semaphore_mem>>, %arg10: memref<!tpu.dma_semaphore, #tpu.memory_space<semaphore_mem>>, %arg11: memref<!tpu.dma_semaphore, #tpu.memory_space<semaphore_mem>>, %arg12: memref<!tpu.dma_semaphore, #tpu.memory_space<semaphore_mem>>, %arg13: memref<!tpu.dma_semaphore, #tpu.memory_space<semaphore_mem>>, %arg14: memref<!tpu.dma_semaphore, #tpu.memory_space<semaphore_mem>>, %arg15: memref<!tpu.dma_semaphore, #tpu.memory_space<semaphore_mem>>, %arg16: memref<!tpu.dma_semaphore, #tpu.memory_space<semaphore_mem>>, %arg17: memref<!tpu.dma_semaphore, #tpu.memory_space<semaphore_mem>>, %arg18: memref<!tpu.dma_semaphore, #tpu.memory_space<semaphore_mem>>, %arg19: memref<!tpu.dma_semaphore, #tpu.memory_space<semaphore_mem>>, %arg20: memref<!tpu.dma_semaphore, #tpu.memory_space<semaphore_mem>>, %arg21: memref<!tpu.dma_semaphore, #tpu.memory_space<semaphore_mem>>, %arg22: memref<!tpu.dma_semaphore, #tpu.memory_space<semaphore_mem>>) attributes {dimension_semantics = [#tpu.dimension_semantics<core_parallel>, #tpu.dimension_semantics<subcore_parallel>], iteration_bounds = array<i64: 2, 16>, scalar_prefetch = 0 : i64, scratch_operands = 18 : i64, tpu.core_type = #tpu.core_type<sc_vector_subcore>, window_params = [{transform_indices = #map}, {transform_indices = #map1}, {transform_indices = #map}]} {
    %mul3A = arith.constant 2 : i32
    %mul3A_0 = arith.muli %arg1, %mul3A : i32
    %add3A = arith.addi %mul3A_0, %arg0 : i32
    %mul3A_1 = arith.constant 1024 : i32
    %mul3A_2 = arith.muli %add3A, %mul3A_1 : i32
    %dma_start3A = arith.constant 0 : i32
    %dma_start3A_3 = arith.constant 0 : i32
    %dma_start3A_4 = tpu.memref_slice %arg3[%add3A, %dma_start3A, %dma_start3A_3] : memref<32x128x8xi32, #tpu.memory_space<hbm>> -> memref<1x128x8xi32, #tpu.memory_space<hbm>>
    %dma_start3A_5 = tpu.memref_squeeze %dma_start3A_4 : memref<1x128x8xi32, #tpu.memory_space<hbm>> -> memref<128x8xi32, #tpu.memory_space<hbm>>
    %dma_start3A_6 = arith.constant 0 : i32
    %dma_start3A_7 = arith.constant 0 : i32
    %dma_start3A_8 = tpu.memref_slice %arg3[%add3A, %dma_start3A_6, %dma_start3A_7] : memref<32x128x8xi32, #tpu.memory_space<hbm>> -> memref<1x128x8xi32, #tpu.memory_space<hbm>>
    %dma_start3A_9 = tpu.memref_squeeze %dma_start3A_8 : memref<1x128x8xi32, #tpu.memory_space<hbm>> -> memref<128x8xi32, #tpu.memory_space<hbm>>
    tpu.enqueue_dma source(%dma_start3A_9 : memref<128x8xi32, #tpu.memory_space<hbm>>) target(%arg5 : memref<128x8xi32, #tpu.memory_space<vmem>>) target_semaphore(%arg7 : memref<!tpu.dma_semaphore, #tpu.memory_space<semaphore_mem>>)
    %dma_wait3A = arith.constant 0 : i32
    %dma_wait3A_10 = arith.constant 0 : i32
    %dma_wait3A_11 = tpu.memref_slice %arg3[%add3A, %dma_wait3A, %dma_wait3A_10] : memref<32x128x8xi32, #tpu.memory_space<hbm>> -> memref<1x128x8xi32, #tpu.memory_space<hbm>>
    %dma_wait3A_12 = tpu.memref_squeeze %dma_wait3A_11 : memref<1x128x8xi32, #tpu.memory_space<hbm>> -> memref<128x8xi32, #tpu.memory_space<hbm>>
    %dma_wait3A_13 = arith.constant 0 : i32
    %dma_wait3A_14 = arith.constant 0 : i32
    %dma_wait3A_15 = tpu.memref_slice %arg3[%add3A, %dma_wait3A_13, %dma_wait3A_14] : memref<32x128x8xi32, #tpu.memory_space<hbm>> -> memref<1x128x8xi32, #tpu.memory_space<hbm>>
    %dma_wait3A_16 = tpu.memref_squeeze %dma_wait3A_15 : memref<1x128x8xi32, #tpu.memory_space<hbm>> -> memref<128x8xi32, #tpu.memory_space<hbm>>
    tpu.wait_dma2 semaphore(%arg7 : memref<!tpu.dma_semaphore, #tpu.memory_space<semaphore_mem>>) src(%dma_wait3A_16 : memref<128x8xi32, #tpu.memory_space<hbm>>) dst(%arg5 : memref<128x8xi32, #tpu.memory_space<vmem>>)
    %dma_start3A_17 = arith.constant 0 : i32
    %dma_start3A_18 = arith.constant 0 : i32
    %dma_start3A_19 = arith.constant 0 : i32
    %dma_start3A_20 = arith.constant 0 : i32
    %dma_start3A_21 = tpu.memref_slice %arg6[%dma_start3A_18, %dma_start3A_19, %dma_start3A_20] : memref<8x8x1024xf32, #tpu.memory_space<vmem>> -> memref<1x8x1024xf32, #tpu.memory_space<vmem>>
    %dma_start3A_22 = tpu.memref_squeeze %dma_start3A_21 : memref<1x8x1024xf32, #tpu.memory_space<vmem>> -> memref<8x1024xf32, #tpu.memory_space<vmem>>
    %dma_start3A_23 = arith.constant 0 : i32
    %dma_start3A_24 = tpu.memref_slice %arg5[%dma_start3A_17, %dma_start3A_23] : memref<128x8xi32, #tpu.memory_space<vmem>> -> memref<1x8xi32, #tpu.memory_space<vmem>>
    %dma_start3A_25 = tpu.memref_squeeze %dma_start3A_24 : memref<1x8xi32, #tpu.memory_space<vmem>> -> memref<8xi32, #tpu.memory_space<vmem>>
    %dma_start3A_26 = arith.constant 0 : i32
    %dma_start3A_27 = arith.constant 0 : i32
    %dma_start3A_28 = tpu.memref_slice %arg2[%dma_start3A_26, %dma_start3A_27] : memref<32768x1024xf32, #tpu.memory_space<hbm>> -> memref<32768x1024xf32, #tpu.memory_space<hbm>>
    tpu.enqueue_indirect_dma source(%dma_start3A_28 : memref<32768x1024xf32, #tpu.memory_space<hbm>>) target(%dma_start3A_22 : memref<8x1024xf32, #tpu.memory_space<vmem>>) offsets(%dma_start3A_25 : memref<8xi32, #tpu.memory_space<vmem>>) semaphore(%arg7 : memref<!tpu.dma_semaphore, #tpu.memory_space<semaphore_mem>>)
    %dma_start3A_29 = arith.constant 1 : i32
    %dma_start3A_30 = arith.constant 1 : i32
    %dma_start3A_31 = arith.constant 0 : i32
    %dma_start3A_32 = arith.constant 0 : i32
    %dma_start3A_33 = tpu.memref_slice %arg6[%dma_start3A_30, %dma_start3A_31, %dma_start3A_32] : memref<8x8x1024xf32, #tpu.memory_space<vmem>> -> memref<1x8x1024xf32, #tpu.memory_space<vmem>>
    %dma_start3A_34 = tpu.memref_squeeze %dma_start3A_33 : memref<1x8x1024xf32, #tpu.memory_space<vmem>> -> memref<8x1024xf32, #tpu.memory_space<vmem>>
    %dma_start3A_35 = arith.constant 0 : i32
    %dma_start3A_36 = tpu.memref_slice %arg5[%dma_start3A_29, %dma_start3A_35] : memref<128x8xi32, #tpu.memory_space<vmem>> -> memref<1x8xi32, #tpu.memory_space<vmem>>
    %dma_start3A_37 = tpu.memref_squeeze %dma_start3A_36 : memref<1x8xi32, #tpu.memory_space<vmem>> -> memref<8xi32, #tpu.memory_space<vmem>>
    %dma_start3A_38 = arith.constant 0 : i32
    %dma_start3A_39 = arith.constant 0 : i32
    %dma_start3A_40 = tpu.memref_slice %arg2[%dma_start3A_38, %dma_start3A_39] : memref<32768x1024xf32, #tpu.memory_space<hbm>> -> memref<32768x1024xf32, #tpu.memory_space<hbm>>
    tpu.enqueue_indirect_dma source(%dma_start3A_40 : memref<32768x1024xf32, #tpu.memory_space<hbm>>) target(%dma_start3A_34 : memref<8x1024xf32, #tpu.memory_space<vmem>>) offsets(%dma_start3A_37 : memref<8xi32, #tpu.memory_space<vmem>>) semaphore(%arg8 : memref<!tpu.dma_semaphore, #tpu.memory_space<semaphore_mem>>)
    %dma_start3A_41 = arith.constant 2 : i32
    %dma_start3A_42 = arith.constant 2 : i32
    %dma_start3A_43 = arith.constant 0 : i32
    %dma_start3A_44 = arith.constant 0 : i32
    %dma_start3A_45 = tpu.memref_slice %arg6[%dma_start3A_42, %dma_start3A_43, %dma_start3A_44] : memref<8x8x1024xf32, #tpu.memory_space<vmem>> -> memref<1x8x1024xf32, #tpu.memory_space<vmem>>
    %dma_start3A_46 = tpu.memref_squeeze %dma_start3A_45 : memref<1x8x1024xf32, #tpu.memory_space<vmem>> -> memref<8x1024xf32, #tpu.memory_space<vmem>>
    %dma_start3A_47 = arith.constant 0 : i32
    %dma_start3A_48 = tpu.memref_slice %arg5[%dma_start3A_41, %dma_start3A_47] : memref<128x8xi32, #tpu.memory_space<vmem>> -> memref<1x8xi32, #tpu.memory_space<vmem>>
    %dma_start3A_49 = tpu.memref_squeeze %dma_start3A_48 : memref<1x8xi32, #tpu.memory_space<vmem>> -> memref<8xi32, #tpu.memory_space<vmem>>
    %dma_start3A_50 = arith.constant 0 : i32
    %dma_start3A_51 = arith.constant 0 : i32
    %dma_start3A_52 = tpu.memref_slice %arg2[%dma_start3A_50, %dma_start3A_51] : memref<32768x1024xf32, #tpu.memory_space<hbm>> -> memref<32768x1024xf32, #tpu.memory_space<hbm>>
    tpu.enqueue_indirect_dma source(%dma_start3A_52 : memref<32768x1024xf32, #tpu.memory_space<hbm>>) target(%dma_start3A_46 : memref<8x1024xf32, #tpu.memory_space<vmem>>) offsets(%dma_start3A_49 : memref<8xi32, #tpu.memory_space<vmem>>) semaphore(%arg9 : memref<!tpu.dma_semaphore, #tpu.memory_space<semaphore_mem>>)
    %dma_start3A_53 = arith.constant 3 : i32
    %dma_start3A_54 = arith.constant 3 : i32
    %dma_start3A_55 = arith.constant 0 : i32
    %dma_start3A_56 = arith.constant 0 : i32
    %dma_start3A_57 = tpu.memref_slice %arg6[%dma_start3A_54, %dma_start3A_55, %dma_start3A_56] : memref<8x8x1024xf32, #tpu.memory_space<vmem>> -> memref<1x8x1024xf32, #tpu.memory_space<vmem>>
    %dma_start3A_58 = tpu.memref_squeeze %dma_start3A_57 : memref<1x8x1024xf32, #tpu.memory_space<vmem>> -> memref<8x1024xf32, #tpu.memory_space<vmem>>
    %dma_start3A_59 = arith.constant 0 : i32
    %dma_start3A_60 = tpu.memref_slice %arg5[%dma_start3A_53, %dma_start3A_59] : memref<128x8xi32, #tpu.memory_space<vmem>> -> memref<1x8xi32, #tpu.memory_space<vmem>>
    %dma_start3A_61 = tpu.memref_squeeze %dma_start3A_60 : memref<1x8xi32, #tpu.memory_space<vmem>> -> memref<8xi32, #tpu.memory_space<vmem>>
    %dma_start3A_62 = arith.constant 0 : i32
    %dma_start3A_63 = arith.constant 0 : i32
    %dma_start3A_64 = tpu.memref_slice %arg2[%dma_start3A_62, %dma_start3A_63] : memref<32768x1024xf32, #tpu.memory_space<hbm>> -> memref<32768x1024xf32, #tpu.memory_space<hbm>>
    tpu.enqueue_indirect_dma source(%dma_start3A_64 : memref<32768x1024xf32, #tpu.memory_space<hbm>>) target(%dma_start3A_58 : memref<8x1024xf32, #tpu.memory_space<vmem>>) offsets(%dma_start3A_61 : memref<8xi32, #tpu.memory_space<vmem>>) semaphore(%arg10 : memref<!tpu.dma_semaphore, #tpu.memory_space<semaphore_mem>>)
    %dma_start3A_65 = arith.constant 4 : i32
    %dma_start3A_66 = arith.constant 4 : i32
    %dma_start3A_67 = arith.constant 0 : i32
    %dma_start3A_68 = arith.constant 0 : i32
    %dma_start3A_69 = tpu.memref_slice %arg6[%dma_start3A_66, %dma_start3A_67, %dma_start3A_68] : memref<8x8x1024xf32, #tpu.memory_space<vmem>> -> memref<1x8x1024xf32, #tpu.memory_space<vmem>>
    %dma_start3A_70 = tpu.memref_squeeze %dma_start3A_69 : memref<1x8x1024xf32, #tpu.memory_space<vmem>> -> memref<8x1024xf32, #tpu.memory_space<vmem>>
    %dma_start3A_71 = arith.constant 0 : i32
    %dma_start3A_72 = tpu.memref_slice %arg5[%dma_start3A_65, %dma_start3A_71] : memref<128x8xi32, #tpu.memory_space<vmem>> -> memref<1x8xi32, #tpu.memory_space<vmem>>
    %dma_start3A_73 = tpu.memref_squeeze %dma_start3A_72 : memref<1x8xi32, #tpu.memory_space<vmem>> -> memref<8xi32, #tpu.memory_space<vmem>>
    %dma_start3A_74 = arith.constant 0 : i32
    %dma_start3A_75 = arith.constant 0 : i32
    %dma_start3A_76 = tpu.memref_slice %arg2[%dma_start3A_74, %dma_start3A_75] : memref<32768x1024xf32, #tpu.memory_space<hbm>> -> memref<32768x1024xf32, #tpu.memory_space<hbm>>
    tpu.enqueue_indirect_dma source(%dma_start3A_76 : memref<32768x1024xf32, #tpu.memory_space<hbm>>) target(%dma_start3A_70 : memref<8x1024xf32, #tpu.memory_space<vmem>>) offsets(%dma_start3A_73 : memref<8xi32, #tpu.memory_space<vmem>>) semaphore(%arg11 : memref<!tpu.dma_semaphore, #tpu.memory_space<semaphore_mem>>)
    %dma_start3A_77 = arith.constant 5 : i32
    %dma_start3A_78 = arith.constant 5 : i32
    %dma_start3A_79 = arith.constant 0 : i32
    %dma_start3A_80 = arith.constant 0 : i32
    %dma_start3A_81 = tpu.memref_slice %arg6[%dma_start3A_78, %dma_start3A_79, %dma_start3A_80] : memref<8x8x1024xf32, #tpu.memory_space<vmem>> -> memref<1x8x1024xf32, #tpu.memory_space<vmem>>
    %dma_start3A_82 = tpu.memref_squeeze %dma_start3A_81 : memref<1x8x1024xf32, #tpu.memory_space<vmem>> -> memref<8x1024xf32, #tpu.memory_space<vmem>>
    %dma_start3A_83 = arith.constant 0 : i32
    %dma_start3A_84 = tpu.memref_slice %arg5[%dma_start3A_77, %dma_start3A_83] : memref<128x8xi32, #tpu.memory_space<vmem>> -> memref<1x8xi32, #tpu.memory_space<vmem>>
    %dma_start3A_85 = tpu.memref_squeeze %dma_start3A_84 : memref<1x8xi32, #tpu.memory_space<vmem>> -> memref<8xi32, #tpu.memory_space<vmem>>
    %dma_start3A_86 = arith.constant 0 : i32
    %dma_start3A_87 = arith.constant 0 : i32
    %dma_start3A_88 = tpu.memref_slice %arg2[%dma_start3A_86, %dma_start3A_87] : memref<32768x1024xf32, #tpu.memory_space<hbm>> -> memref<32768x1024xf32, #tpu.memory_space<hbm>>
    tpu.enqueue_indirect_dma source(%dma_start3A_88 : memref<32768x1024xf32, #tpu.memory_space<hbm>>) target(%dma_start3A_82 : memref<8x1024xf32, #tpu.memory_space<vmem>>) offsets(%dma_start3A_85 : memref<8xi32, #tpu.memory_space<vmem>>) semaphore(%arg12 : memref<!tpu.dma_semaphore, #tpu.memory_space<semaphore_mem>>)
    %dma_start3A_89 = arith.constant 6 : i32
    %dma_start3A_90 = arith.constant 6 : i32
    %dma_start3A_91 = arith.constant 0 : i32
    %dma_start3A_92 = arith.constant 0 : i32
    %dma_start3A_93 = tpu.memref_slice %arg6[%dma_start3A_90, %dma_start3A_91, %dma_start3A_92] : memref<8x8x1024xf32, #tpu.memory_space<vmem>> -> memref<1x8x1024xf32, #tpu.memory_space<vmem>>
    %dma_start3A_94 = tpu.memref_squeeze %dma_start3A_93 : memref<1x8x1024xf32, #tpu.memory_space<vmem>> -> memref<8x1024xf32, #tpu.memory_space<vmem>>
    %dma_start3A_95 = arith.constant 0 : i32
    %dma_start3A_96 = tpu.memref_slice %arg5[%dma_start3A_89, %dma_start3A_95] : memref<128x8xi32, #tpu.memory_space<vmem>> -> memref<1x8xi32, #tpu.memory_space<vmem>>
    %dma_start3A_97 = tpu.memref_squeeze %dma_start3A_96 : memref<1x8xi32, #tpu.memory_space<vmem>> -> memref<8xi32, #tpu.memory_space<vmem>>
    %dma_start3A_98 = arith.constant 0 : i32
    %dma_start3A_99 = arith.constant 0 : i32
    %dma_start3A_100 = tpu.memref_slice %arg2[%dma_start3A_98, %dma_start3A_99] : memref<32768x1024xf32, #tpu.memory_space<hbm>> -> memref<32768x1024xf32, #tpu.memory_space<hbm>>
    tpu.enqueue_indirect_dma source(%dma_start3A_100 : memref<32768x1024xf32, #tpu.memory_space<hbm>>) target(%dma_start3A_94 : memref<8x1024xf32, #tpu.memory_space<vmem>>) offsets(%dma_start3A_97 : memref<8xi32, #tpu.memory_space<vmem>>) semaphore(%arg13 : memref<!tpu.dma_semaphore, #tpu.memory_space<semaphore_mem>>)
    %dma_start3A_101 = arith.constant 7 : i32
    %dma_start3A_102 = arith.constant 7 : i32
    %dma_start3A_103 = arith.constant 0 : i32
    %dma_start3A_104 = arith.constant 0 : i32
    %dma_start3A_105 = tpu.memref_slice %arg6[%dma_start3A_102, %dma_start3A_103, %dma_start3A_104] : memref<8x8x1024xf32, #tpu.memory_space<vmem>> -> memref<1x8x1024xf32, #tpu.memory_space<vmem>>
    %dma_start3A_106 = tpu.memref_squeeze %dma_start3A_105 : memref<1x8x1024xf32, #tpu.memory_space<vmem>> -> memref<8x1024xf32, #tpu.memory_space<vmem>>
    %dma_start3A_107 = arith.constant 0 : i32
    %dma_start3A_108 = tpu.memref_slice %arg5[%dma_start3A_101, %dma_start3A_107] : memref<128x8xi32, #tpu.memory_space<vmem>> -> memref<1x8xi32, #tpu.memory_space<vmem>>
    %dma_start3A_109 = tpu.memref_squeeze %dma_start3A_108 : memref<1x8xi32, #tpu.memory_space<vmem>> -> memref<8xi32, #tpu.memory_space<vmem>>
    %dma_start3A_110 = arith.constant 0 : i32
    %dma_start3A_111 = arith.constant 0 : i32
    %dma_start3A_112 = tpu.memref_slice %arg2[%dma_start3A_110, %dma_start3A_111] : memref<32768x1024xf32, #tpu.memory_space<hbm>> -> memref<32768x1024xf32, #tpu.memory_space<hbm>>
    tpu.enqueue_indirect_dma source(%dma_start3A_112 : memref<32768x1024xf32, #tpu.memory_space<hbm>>) target(%dma_start3A_106 : memref<8x1024xf32, #tpu.memory_space<vmem>>) offsets(%dma_start3A_109 : memref<8xi32, #tpu.memory_space<vmem>>) semaphore(%arg14 : memref<!tpu.dma_semaphore, #tpu.memory_space<semaphore_mem>>)
    %scan3A = arith.constant 0 : i32
    %scan3A_113 = arith.constant 0 : i32
    %scan3A_114 = arith.constant 16 : i32
    %scan3A_115 = arith.addi %scan3A_113, %scan3A_114 : i32
    %scan3A_116 = arith.constant 1 : i32
    scf.for %scan3A_222 = %scan3A_113 to %scan3A_115 step %scan3A_116  : i32 {
      %mul3A_223 = arith.constant 8 : i32
      %mul3A_224 = arith.muli %scan3A_222, %mul3A_223 : i32
      %add3A_225 = arith.constant 0 : i32
      %add3A_226 = arith.addi %mul3A_224, %add3A_225 : i32
      %dma_wait3A_227 = arith.constant 0 : i32
      %dma_wait3A_228 = arith.constant 0 : i32
      %dma_wait3A_229 = arith.constant 0 : i32
      %dma_wait3A_230 = tpu.memref_slice %arg6[%dma_wait3A_227, %dma_wait3A_228, %dma_wait3A_229] : memref<8x8x1024xf32, #tpu.memory_space<vmem>> -> memref<1x8x1024xf32, #tpu.memory_space<vmem>>
      %dma_wait3A_231 = tpu.memref_squeeze %dma_wait3A_230 : memref<1x8x1024xf32, #tpu.memory_space<vmem>> -> memref<8x1024xf32, #tpu.memory_space<vmem>>
      %dma_wait3A_232 = arith.constant 0 : i32
      %dma_wait3A_233 = tpu.memref_slice %arg5[%add3A_226, %dma_wait3A_232] : memref<128x8xi32, #tpu.memory_space<vmem>> -> memref<1x8xi32, #tpu.memory_space<vmem>>
      %dma_wait3A_234 = tpu.memref_squeeze %dma_wait3A_233 : memref<1x8xi32, #tpu.memory_space<vmem>> -> memref<8xi32, #tpu.memory_space<vmem>>
      %dma_wait3A_235 = arith.constant 0 : i32
      %dma_wait3A_236 = arith.constant 0 : i32
      %dma_wait3A_237 = tpu.memref_slice %arg2[%dma_wait3A_235, %dma_wait3A_236] : memref<32768x1024xf32, #tpu.memory_space<hbm>> -> memref<32768x1024xf32, #tpu.memory_space<hbm>>
      tpu.wait_indirect_dma semaphore(%arg7 : memref<!tpu.dma_semaphore, #tpu.memory_space<semaphore_mem>>) src(%dma_wait3A_237 : memref<32768x1024xf32, #tpu.memory_space<hbm>>) dst(%dma_wait3A_231 : memref<8x1024xf32, #tpu.memory_space<vmem>>)
      %mul3A_238 = arith.constant 8 : i32
      %mul3A_239 = arith.muli %add3A_226, %mul3A_238 : i32
      %add3A_240 = arith.addi %mul3A_2, %mul3A_239 : i32
      %dma_start3A_241 = arith.constant 0 : i32
      %dma_start3A_242 = arith.constant 0 : i32
      %dma_start3A_243 = arith.constant 0 : i32
      %dma_start3A_244 = tpu.memref_slice %arg6[%dma_start3A_241, %dma_start3A_242, %dma_start3A_243] : memref<8x8x1024xf32, #tpu.memory_space<vmem>> -> memref<1x8x1024xf32, #tpu.memory_space<vmem>>
      %dma_start3A_245 = tpu.memref_squeeze %dma_start3A_244 : memref<1x8x1024xf32, #tpu.memory_space<vmem>> -> memref<8x1024xf32, #tpu.memory_space<vmem>>
      %dma_start3A_246 = arith.constant 0 : i32
      %dma_start3A_247 = tpu.memref_slice %arg4[%add3A_240, %dma_start3A_246] : memref<32768x1024xf32, #tpu.memory_space<hbm>> -> memref<8x1024xf32, #tpu.memory_space<hbm>>
      %dma_start3A_248 = arith.constant 0 : i32
      %dma_start3A_249 = tpu.memref_slice %arg4[%add3A_240, %dma_start3A_248] : memref<32768x1024xf32, #tpu.memory_space<hbm>> -> memref<8x1024xf32, #tpu.memory_space<hbm>>
      %dma_start3A_250 = arith.constant 0 : i32
      %dma_start3A_251 = arith.constant 0 : i32
      %dma_start3A_252 = tpu.memref_slice %arg6[%dma_start3A_241, %dma_start3A_250, %dma_start3A_251] : memref<8x8x1024xf32, #tpu.memory_space<vmem>> -> memref<1x8x1024xf32, #tpu.memory_space<vmem>>
      %dma_start3A_253 = tpu.memref_squeeze %dma_start3A_252 : memref<1x8x1024xf32, #tpu.memory_space<vmem>> -> memref<8x1024xf32, #tpu.memory_space<vmem>>
      tpu.enqueue_dma source(%dma_start3A_253 : memref<8x1024xf32, #tpu.memory_space<vmem>>) target(%dma_start3A_249 : memref<8x1024xf32, #tpu.memory_space<hbm>>) target_semaphore(%arg15 : memref<!tpu.dma_semaphore, #tpu.memory_space<semaphore_mem>>)
      %add3A_254 = arith.constant 8 : i32
      %add3A_255 = arith.addi %add3A_226, %add3A_254 : i32
      %lt3A = arith.constant 128 : i32
      %lt3A_256 = arith.cmpi slt, %add3A_255, %lt3A : i32
      %convert_element_type3A = arith.extui %lt3A_256 : i1 to i32
      %cond3A = arith.constant 0 : i32
      %cond3A_257 = arith.cmpi ne, %convert_element_type3A, %cond3A : i32
      scf.if %cond3A_257 {
        %dma_wait3A_524 = arith.constant 0 : i32
        %dma_wait3A_525 = arith.constant 0 : i32
        %dma_wait3A_526 = arith.constant 0 : i32
        %dma_wait3A_527 = tpu.memref_slice %arg6[%dma_wait3A_524, %dma_wait3A_525, %dma_wait3A_526] : memref<8x8x1024xf32, #tpu.memory_space<vmem>> -> memref<1x8x1024xf32, #tpu.memory_space<vmem>>
        %dma_wait3A_528 = tpu.memref_squeeze %dma_wait3A_527 : memref<1x8x1024xf32, #tpu.memory_space<vmem>> -> memref<8x1024xf32, #tpu.memory_space<vmem>>
        %dma_wait3A_529 = arith.constant 0 : i32
        %dma_wait3A_530 = tpu.memref_slice %arg4[%add3A_240, %dma_wait3A_529] : memref<32768x1024xf32, #tpu.memory_space<hbm>> -> memref<8x1024xf32, #tpu.memory_space<hbm>>
        %dma_wait3A_531 = arith.constant 0 : i32
        %dma_wait3A_532 = tpu.memref_slice %arg4[%add3A_240, %dma_wait3A_531] : memref<32768x1024xf32, #tpu.memory_space<hbm>> -> memref<8x1024xf32, #tpu.memory_space<hbm>>
        %dma_wait3A_533 = arith.constant 0 : i32
        %dma_wait3A_534 = arith.constant 0 : i32
        %dma_wait3A_535 = tpu.memref_slice %arg6[%dma_wait3A_524, %dma_wait3A_533, %dma_wait3A_534] : memref<8x8x1024xf32, #tpu.memory_space<vmem>> -> memref<1x8x1024xf32, #tpu.memory_space<vmem>>
        %dma_wait3A_536 = tpu.memref_squeeze %dma_wait3A_535 : memref<1x8x1024xf32, #tpu.memory_space<vmem>> -> memref<8x1024xf32, #tpu.memory_space<vmem>>
        tpu.wait_dma2 semaphore(%arg15 : memref<!tpu.dma_semaphore, #tpu.memory_space<semaphore_mem>>) src(%dma_wait3A_536 : memref<8x1024xf32, #tpu.memory_space<vmem>>) dst(%dma_wait3A_532 : memref<8x1024xf32, #tpu.memory_space<hbm>>)
        %dma_start3A_537 = arith.constant 0 : i32
        %dma_start3A_538 = arith.constant 0 : i32
        %dma_start3A_539 = arith.constant 0 : i32
        %dma_start3A_540 = tpu.memref_slice %arg6[%dma_start3A_537, %dma_start3A_538, %dma_start3A_539] : memref<8x8x1024xf32, #tpu.memory_space<vmem>> -> memref<1x8x1024xf32, #tpu.memory_space<vmem>>
        %dma_start3A_541 = tpu.memref_squeeze %dma_start3A_540 : memref<1x8x1024xf32, #tpu.memory_space<vmem>> -> memref<8x1024xf32, #tpu.memory_space<vmem>>
        %dma_start3A_542 = arith.constant 0 : i32
        %dma_start3A_543 = tpu.memref_slice %arg5[%add3A_255, %dma_start3A_542] : memref<128x8xi32, #tpu.memory_space<vmem>> -> memref<1x8xi32, #tpu.memory_space<vmem>>
        %dma_start3A_544 = tpu.memref_squeeze %dma_start3A_543 : memref<1x8xi32, #tpu.memory_space<vmem>> -> memref<8xi32, #tpu.memory_space<vmem>>
        %dma_start3A_545 = arith.constant 0 : i32
        %dma_start3A_546 = arith.constant 0 : i32
        %dma_start3A_547 = tpu.memref_slice %arg2[%dma_start3A_545, %dma_start3A_546] : memref<32768x1024xf32, #tpu.memory_space<hbm>> -> memref<32768x1024xf32, #tpu.memory_space<hbm>>
        tpu.enqueue_indirect_dma source(%dma_start3A_547 : memref<32768x1024xf32, #tpu.memory_space<hbm>>) target(%dma_start3A_541 : memref<8x1024xf32, #tpu.memory_space<vmem>>) offsets(%dma_start3A_544 : memref<8xi32, #tpu.memory_space<vmem>>) semaphore(%arg7 : memref<!tpu.dma_semaphore, #tpu.memory_space<semaphore_mem>>)
      } else {
      }
      %mul3A_258 = arith.constant 8 : i32
      %mul3A_259 = arith.muli %scan3A_222, %mul3A_258 : i32
      %add3A_260 = arith.constant 1 : i32
      %add3A_261 = arith.addi %mul3A_259, %add3A_260 : i32
      %dma_wait3A_262 = arith.constant 1 : i32
      %dma_wait3A_263 = arith.constant 0 : i32
      %dma_wait3A_264 = arith.constant 0 : i32
      %dma_wait3A_265 = tpu.memref_slice %arg6[%dma_wait3A_262, %dma_wait3A_263, %dma_wait3A_264] : memref<8x8x1024xf32, #tpu.memory_space<vmem>> -> memref<1x8x1024xf32, #tpu.memory_space<vmem>>
      %dma_wait3A_266 = tpu.memref_squeeze %dma_wait3A_265 : memref<1x8x1024xf32, #tpu.memory_space<vmem>> -> memref<8x1024xf32, #tpu.memory_space<vmem>>
      %dma_wait3A_267 = arith.constant 0 : i32
      %dma_wait3A_268 = tpu.memref_slice %arg5[%add3A_261, %dma_wait3A_267] : memref<128x8xi32, #tpu.memory_space<vmem>> -> memref<1x8xi32, #tpu.memory_space<vmem>>
      %dma_wait3A_269 = tpu.memref_squeeze %dma_wait3A_268 : memref<1x8xi32, #tpu.memory_space<vmem>> -> memref<8xi32, #tpu.memory_space<vmem>>
      %dma_wait3A_270 = arith.constant 0 : i32
      %dma_wait3A_271 = arith.constant 0 : i32
      %dma_wait3A_272 = tpu.memref_slice %arg2[%dma_wait3A_270, %dma_wait3A_271] : memref<32768x1024xf32, #tpu.memory_space<hbm>> -> memref<32768x1024xf32, #tpu.memory_space<hbm>>
      tpu.wait_indirect_dma semaphore(%arg8 : memref<!tpu.dma_semaphore, #tpu.memory_space<semaphore_mem>>) src(%dma_wait3A_272 : memref<32768x1024xf32, #tpu.memory_space<hbm>>) dst(%dma_wait3A_266 : memref<8x1024xf32, #tpu.memory_space<vmem>>)
      %mul3A_273 = arith.constant 8 : i32
      %mul3A_274 = arith.muli %add3A_261, %mul3A_273 : i32
      %add3A_275 = arith.addi %mul3A_2, %mul3A_274 : i32
      %dma_start3A_276 = arith.constant 1 : i32
      %dma_start3A_277 = arith.constant 0 : i32
      %dma_start3A_278 = arith.constant 0 : i32
      %dma_start3A_279 = tpu.memref_slice %arg6[%dma_start3A_276, %dma_start3A_277, %dma_start3A_278] : memref<8x8x1024xf32, #tpu.memory_space<vmem>> -> memref<1x8x1024xf32, #tpu.memory_space<vmem>>
      %dma_start3A_280 = tpu.memref_squeeze %dma_start3A_279 : memref<1x8x1024xf32, #tpu.memory_space<vmem>> -> memref<8x1024xf32, #tpu.memory_space<vmem>>
      %dma_start3A_281 = arith.constant 0 : i32
      %dma_start3A_282 = tpu.memref_slice %arg4[%add3A_275, %dma_start3A_281] : memref<32768x1024xf32, #tpu.memory_space<hbm>> -> memref<8x1024xf32, #tpu.memory_space<hbm>>
      %dma_start3A_283 = arith.constant 0 : i32
      %dma_start3A_284 = tpu.memref_slice %arg4[%add3A_275, %dma_start3A_283] : memref<32768x1024xf32, #tpu.memory_space<hbm>> -> memref<8x1024xf32, #tpu.memory_space<hbm>>
      %dma_start3A_285 = arith.constant 0 : i32
      %dma_start3A_286 = arith.constant 0 : i32
      %dma_start3A_287 = tpu.memref_slice %arg6[%dma_start3A_276, %dma_start3A_285, %dma_start3A_286] : memref<8x8x1024xf32, #tpu.memory_space<vmem>> -> memref<1x8x1024xf32, #tpu.memory_space<vmem>>
      %dma_start3A_288 = tpu.memref_squeeze %dma_start3A_287 : memref<1x8x1024xf32, #tpu.memory_space<vmem>> -> memref<8x1024xf32, #tpu.memory_space<vmem>>
      tpu.enqueue_dma source(%dma_start3A_288 : memref<8x1024xf32, #tpu.memory_space<vmem>>) target(%dma_start3A_284 : memref<8x1024xf32, #tpu.memory_space<hbm>>) target_semaphore(%arg16 : memref<!tpu.dma_semaphore, #tpu.memory_space<semaphore_mem>>)
      %add3A_289 = arith.constant 8 : i32
      %add3A_290 = arith.addi %add3A_261, %add3A_289 : i32
      %lt3A_291 = arith.constant 128 : i32
      %lt3A_292 = arith.cmpi slt, %add3A_290, %lt3A_291 : i32
      %convert_element_type3A_293 = arith.extui %lt3A_292 : i1 to i32
      %cond3A_294 = arith.constant 0 : i32
      %cond3A_295 = arith.cmpi ne, %convert_element_type3A_293, %cond3A_294 : i32
      scf.if %cond3A_295 {
        %dma_wait3A_524 = arith.constant 1 : i32
        %dma_wait3A_525 = arith.constant 0 : i32
        %dma_wait3A_526 = arith.constant 0 : i32
        %dma_wait3A_527 = tpu.memref_slice %arg6[%dma_wait3A_524, %dma_wait3A_525, %dma_wait3A_526] : memref<8x8x1024xf32, #tpu.memory_space<vmem>> -> memref<1x8x1024xf32, #tpu.memory_space<vmem>>
        %dma_wait3A_528 = tpu.memref_squeeze %dma_wait3A_527 : memref<1x8x1024xf32, #tpu.memory_space<vmem>> -> memref<8x1024xf32, #tpu.memory_space<vmem>>
        %dma_wait3A_529 = arith.constant 0 : i32
        %dma_wait3A_530 = tpu.memref_slice %arg4[%add3A_275, %dma_wait3A_529] : memref<32768x1024xf32, #tpu.memory_space<hbm>> -> memref<8x1024xf32, #tpu.memory_space<hbm>>
        %dma_wait3A_531 = arith.constant 0 : i32
        %dma_wait3A_532 = tpu.memref_slice %arg4[%add3A_275, %dma_wait3A_531] : memref<32768x1024xf32, #tpu.memory_space<hbm>> -> memref<8x1024xf32, #tpu.memory_space<hbm>>
        %dma_wait3A_533 = arith.constant 0 : i32
        %dma_wait3A_534 = arith.constant 0 : i32
        %dma_wait3A_535 = tpu.memref_slice %arg6[%dma_wait3A_524, %dma_wait3A_533, %dma_wait3A_534] : memref<8x8x1024xf32, #tpu.memory_space<vmem>> -> memref<1x8x1024xf32, #tpu.memory_space<vmem>>
        %dma_wait3A_536 = tpu.memref_squeeze %dma_wait3A_535 : memref<1x8x1024xf32, #tpu.memory_space<vmem>> -> memref<8x1024xf32, #tpu.memory_space<vmem>>
        tpu.wait_dma2 semaphore(%arg16 : memref<!tpu.dma_semaphore, #tpu.memory_space<semaphore_mem>>) src(%dma_wait3A_536 : memref<8x1024xf32, #tpu.memory_space<vmem>>) dst(%dma_wait3A_532 : memref<8x1024xf32, #tpu.memory_space<hbm>>)
        %dma_start3A_537 = arith.constant 1 : i32
        %dma_start3A_538 = arith.constant 0 : i32
        %dma_start3A_539 = arith.constant 0 : i32
        %dma_start3A_540 = tpu.memref_slice %arg6[%dma_start3A_537, %dma_start3A_538, %dma_start3A_539] : memref<8x8x1024xf32, #tpu.memory_space<vmem>> -> memref<1x8x1024xf32, #tpu.memory_space<vmem>>
        %dma_start3A_541 = tpu.memref_squeeze %dma_start3A_540 : memref<1x8x1024xf32, #tpu.memory_space<vmem>> -> memref<8x1024xf32, #tpu.memory_space<vmem>>
        %dma_start3A_542 = arith.constant 0 : i32
        %dma_start3A_543 = tpu.memref_slice %arg5[%add3A_290, %dma_start3A_542] : memref<128x8xi32, #tpu.memory_space<vmem>> -> memref<1x8xi32, #tpu.memory_space<vmem>>
        %dma_start3A_544 = tpu.memref_squeeze %dma_start3A_543 : memref<1x8xi32, #tpu.memory_space<vmem>> -> memref<8xi32, #tpu.memory_space<vmem>>
        %dma_start3A_545 = arith.constant 0 : i32
        %dma_start3A_546 = arith.constant 0 : i32
        %dma_start3A_547 = tpu.memref_slice %arg2[%dma_start3A_545, %dma_start3A_546] : memref<32768x1024xf32, #tpu.memory_space<hbm>> -> memref<32768x1024xf32, #tpu.memory_space<hbm>>
        tpu.enqueue_indirect_dma source(%dma_start3A_547 : memref<32768x1024xf32, #tpu.memory_space<hbm>>) target(%dma_start3A_541 : memref<8x1024xf32, #tpu.memory_space<vmem>>) offsets(%dma_start3A_544 : memref<8xi32, #tpu.memory_space<vmem>>) semaphore(%arg8 : memref<!tpu.dma_semaphore, #tpu.memory_space<semaphore_mem>>)
      } else {
      }
      %mul3A_296 = arith.constant 8 : i32
      %mul3A_297 = arith.muli %scan3A_222, %mul3A_296 : i32
      %add3A_298 = arith.constant 2 : i32
      %add3A_299 = arith.addi %mul3A_297, %add3A_298 : i32
      %dma_wait3A_300 = arith.constant 2 : i32
      %dma_wait3A_301 = arith.constant 0 : i32
      %dma_wait3A_302 = arith.constant 0 : i32
      %dma_wait3A_303 = tpu.memref_slice %arg6[%dma_wait3A_300, %dma_wait3A_301, %dma_wait3A_302] : memref<8x8x1024xf32, #tpu.memory_space<vmem>> -> memref<1x8x1024xf32, #tpu.memory_space<vmem>>
      %dma_wait3A_304 = tpu.memref_squeeze %dma_wait3A_303 : memref<1x8x1024xf32, #tpu.memory_space<vmem>> -> memref<8x1024xf32, #tpu.memory_space<vmem>>
      %dma_wait3A_305 = arith.constant 0 : i32
      %dma_wait3A_306 = tpu.memref_slice %arg5[%add3A_299, %dma_wait3A_305] : memref<128x8xi32, #tpu.memory_space<vmem>> -> memref<1x8xi32, #tpu.memory_space<vmem>>
      %dma_wait3A_307 = tpu.memref_squeeze %dma_wait3A_306 : memref<1x8xi32, #tpu.memory_space<vmem>> -> memref<8xi32, #tpu.memory_space<vmem>>
      %dma_wait3A_308 = arith.constant 0 : i32
      %dma_wait3A_309 = arith.constant 0 : i32
      %dma_wait3A_310 = tpu.memref_slice %arg2[%dma_wait3A_308, %dma_wait3A_309] : memref<32768x1024xf32, #tpu.memory_space<hbm>> -> memref<32768x1024xf32, #tpu.memory_space<hbm>>
      tpu.wait_indirect_dma semaphore(%arg9 : memref<!tpu.dma_semaphore, #tpu.memory_space<semaphore_mem>>) src(%dma_wait3A_310 : memref<32768x1024xf32, #tpu.memory_space<hbm>>) dst(%dma_wait3A_304 : memref<8x1024xf32, #tpu.memory_space<vmem>>)
      %mul3A_311 = arith.constant 8 : i32
      %mul3A_312 = arith.muli %add3A_299, %mul3A_311 : i32
      %add3A_313 = arith.addi %mul3A_2, %mul3A_312 : i32
      %dma_start3A_314 = arith.constant 2 : i32
      %dma_start3A_315 = arith.constant 0 : i32
      %dma_start3A_316 = arith.constant 0 : i32
      %dma_start3A_317 = tpu.memref_slice %arg6[%dma_start3A_314, %dma_start3A_315, %dma_start3A_316] : memref<8x8x1024xf32, #tpu.memory_space<vmem>> -> memref<1x8x1024xf32, #tpu.memory_space<vmem>>
      %dma_start3A_318 = tpu.memref_squeeze %dma_start3A_317 : memref<1x8x1024xf32, #tpu.memory_space<vmem>> -> memref<8x1024xf32, #tpu.memory_space<vmem>>
      %dma_start3A_319 = arith.constant 0 : i32
      %dma_start3A_320 = tpu.memref_slice %arg4[%add3A_313, %dma_start3A_319] : memref<32768x1024xf32, #tpu.memory_space<hbm>> -> memref<8x1024xf32, #tpu.memory_space<hbm>>
      %dma_start3A_321 = arith.constant 0 : i32
      %dma_start3A_322 = tpu.memref_slice %arg4[%add3A_313, %dma_start3A_321] : memref<32768x1024xf32, #tpu.memory_space<hbm>> -> memref<8x1024xf32, #tpu.memory_space<hbm>>
      %dma_start3A_323 = arith.constant 0 : i32
      %dma_start3A_324 = arith.constant 0 : i32
      %dma_start3A_325 = tpu.memref_slice %arg6[%dma_start3A_314, %dma_start3A_323, %dma_start3A_324] : memref<8x8x1024xf32, #tpu.memory_space<vmem>> -> memref<1x8x1024xf32, #tpu.memory_space<vmem>>
      %dma_start3A_326 = tpu.memref_squeeze %dma_start3A_325 : memref<1x8x1024xf32, #tpu.memory_space<vmem>> -> memref<8x1024xf32, #tpu.memory_space<vmem>>
      tpu.enqueue_dma source(%dma_start3A_326 : memref<8x1024xf32, #tpu.memory_space<vmem>>) target(%dma_start3A_322 : memref<8x1024xf32, #tpu.memory_space<hbm>>) target_semaphore(%arg17 : memref<!tpu.dma_semaphore, #tpu.memory_space<semaphore_mem>>)
      %add3A_327 = arith.constant 8 : i32
      %add3A_328 = arith.addi %add3A_299, %add3A_327 : i32
      %lt3A_329 = arith.constant 128 : i32
      %lt3A_330 = arith.cmpi slt, %add3A_328, %lt3A_329 : i32
      %convert_element_type3A_331 = arith.extui %lt3A_330 : i1 to i32
      %cond3A_332 = arith.constant 0 : i32
      %cond3A_333 = arith.cmpi ne, %convert_element_type3A_331, %cond3A_332 : i32
      scf.if %cond3A_333 {
        %dma_wait3A_524 = arith.constant 2 : i32
        %dma_wait3A_525 = arith.constant 0 : i32
        %dma_wait3A_526 = arith.constant 0 : i32
        %dma_wait3A_527 = tpu.memref_slice %arg6[%dma_wait3A_524, %dma_wait3A_525, %dma_wait3A_526] : memref<8x8x1024xf32, #tpu.memory_space<vmem>> -> memref<1x8x1024xf32, #tpu.memory_space<vmem>>
        %dma_wait3A_528 = tpu.memref_squeeze %dma_wait3A_527 : memref<1x8x1024xf32, #tpu.memory_space<vmem>> -> memref<8x1024xf32, #tpu.memory_space<vmem>>
        %dma_wait3A_529 = arith.constant 0 : i32
        %dma_wait3A_530 = tpu.memref_slice %arg4[%add3A_313, %dma_wait3A_529] : memref<32768x1024xf32, #tpu.memory_space<hbm>> -> memref<8x1024xf32, #tpu.memory_space<hbm>>
        %dma_wait3A_531 = arith.constant 0 : i32
        %dma_wait3A_532 = tpu.memref_slice %arg4[%add3A_313, %dma_wait3A_531] : memref<32768x1024xf32, #tpu.memory_space<hbm>> -> memref<8x1024xf32, #tpu.memory_space<hbm>>
        %dma_wait3A_533 = arith.constant 0 : i32
        %dma_wait3A_534 = arith.constant 0 : i32
        %dma_wait3A_535 = tpu.memref_slice %arg6[%dma_wait3A_524, %dma_wait3A_533, %dma_wait3A_534] : memref<8x8x1024xf32, #tpu.memory_space<vmem>> -> memref<1x8x1024xf32, #tpu.memory_space<vmem>>
        %dma_wait3A_536 = tpu.memref_squeeze %dma_wait3A_535 : memref<1x8x1024xf32, #tpu.memory_space<vmem>> -> memref<8x1024xf32, #tpu.memory_space<vmem>>
        tpu.wait_dma2 semaphore(%arg17 : memref<!tpu.dma_semaphore, #tpu.memory_space<semaphore_mem>>) src(%dma_wait3A_536 : memref<8x1024xf32, #tpu.memory_space<vmem>>) dst(%dma_wait3A_532 : memref<8x1024xf32, #tpu.memory_space<hbm>>)
        %dma_start3A_537 = arith.constant 2 : i32
        %dma_start3A_538 = arith.constant 0 : i32
        %dma_start3A_539 = arith.constant 0 : i32
        %dma_start3A_540 = tpu.memref_slice %arg6[%dma_start3A_537, %dma_start3A_538, %dma_start3A_539] : memref<8x8x1024xf32, #tpu.memory_space<vmem>> -> memref<1x8x1024xf32, #tpu.memory_space<vmem>>
        %dma_start3A_541 = tpu.memref_squeeze %dma_start3A_540 : memref<1x8x1024xf32, #tpu.memory_space<vmem>> -> memref<8x1024xf32, #tpu.memory_space<vmem>>
        %dma_start3A_542 = arith.constant 0 : i32
        %dma_start3A_543 = tpu.memref_slice %arg5[%add3A_328, %dma_start3A_542] : memref<128x8xi32, #tpu.memory_space<vmem>> -> memref<1x8xi32, #tpu.memory_space<vmem>>
        %dma_start3A_544 = tpu.memref_squeeze %dma_start3A_543 : memref<1x8xi32, #tpu.memory_space<vmem>> -> memref<8xi32, #tpu.memory_space<vmem>>
        %dma_start3A_545 = arith.constant 0 : i32
        %dma_start3A_546 = arith.constant 0 : i32
        %dma_start3A_547 = tpu.memref_slice %arg2[%dma_start3A_545, %dma_start3A_546] : memref<32768x1024xf32, #tpu.memory_space<hbm>> -> memref<32768x1024xf32, #tpu.memory_space<hbm>>
        tpu.enqueue_indirect_dma source(%dma_start3A_547 : memref<32768x1024xf32, #tpu.memory_space<hbm>>) target(%dma_start3A_541 : memref<8x1024xf32, #tpu.memory_space<vmem>>) offsets(%dma_start3A_544 : memref<8xi32, #tpu.memory_space<vmem>>) semaphore(%arg9 : memref<!tpu.dma_semaphore, #tpu.memory_space<semaphore_mem>>)
      } else {
      }
      %mul3A_334 = arith.constant 8 : i32
      %mul3A_335 = arith.muli %scan3A_222, %mul3A_334 : i32
      %add3A_336 = arith.constant 3 : i32
      %add3A_337 = arith.addi %mul3A_335, %add3A_336 : i32
      %dma_wait3A_338 = arith.constant 3 : i32
      %dma_wait3A_339 = arith.constant 0 : i32
      %dma_wait3A_340 = arith.constant 0 : i32
      %dma_wait3A_341 = tpu.memref_slice %arg6[%dma_wait3A_338, %dma_wait3A_339, %dma_wait3A_340] : memref<8x8x1024xf32, #tpu.memory_space<vmem>> -> memref<1x8x1024xf32, #tpu.memory_space<vmem>>
      %dma_wait3A_342 = tpu.memref_squeeze %dma_wait3A_341 : memref<1x8x1024xf32, #tpu.memory_space<vmem>> -> memref<8x1024xf32, #tpu.memory_space<vmem>>
      %dma_wait3A_343 = arith.constant 0 : i32
      %dma_wait3A_344 = tpu.memref_slice %arg5[%add3A_337, %dma_wait3A_343] : memref<128x8xi32, #tpu.memory_space<vmem>> -> memref<1x8xi32, #tpu.memory_space<vmem>>
      %dma_wait3A_345 = tpu.memref_squeeze %dma_wait3A_344 : memref<1x8xi32, #tpu.memory_space<vmem>> -> memref<8xi32, #tpu.memory_space<vmem>>
      %dma_wait3A_346 = arith.constant 0 : i32
      %dma_wait3A_347 = arith.constant 0 : i32
      %dma_wait3A_348 = tpu.memref_slice %arg2[%dma_wait3A_346, %dma_wait3A_347] : memref<32768x1024xf32, #tpu.memory_space<hbm>> -> memref<32768x1024xf32, #tpu.memory_space<hbm>>
      tpu.wait_indirect_dma semaphore(%arg10 : memref<!tpu.dma_semaphore, #tpu.memory_space<semaphore_mem>>) src(%dma_wait3A_348 : memref<32768x1024xf32, #tpu.memory_space<hbm>>) dst(%dma_wait3A_342 : memref<8x1024xf32, #tpu.memory_space<vmem>>)
      %mul3A_349 = arith.constant 8 : i32
      %mul3A_350 = arith.muli %add3A_337, %mul3A_349 : i32
      %add3A_351 = arith.addi %mul3A_2, %mul3A_350 : i32
      %dma_start3A_352 = arith.constant 3 : i32
      %dma_start3A_353 = arith.constant 0 : i32
      %dma_start3A_354 = arith.constant 0 : i32
      %dma_start3A_355 = tpu.memref_slice %arg6[%dma_start3A_352, %dma_start3A_353, %dma_start3A_354] : memref<8x8x1024xf32, #tpu.memory_space<vmem>> -> memref<1x8x1024xf32, #tpu.memory_space<vmem>>
      %dma_start3A_356 = tpu.memref_squeeze %dma_start3A_355 : memref<1x8x1024xf32, #tpu.memory_space<vmem>> -> memref<8x1024xf32, #tpu.memory_space<vmem>>
      %dma_start3A_357 = arith.constant 0 : i32
      %dma_start3A_358 = tpu.memref_slice %arg4[%add3A_351, %dma_start3A_357] : memref<32768x1024xf32, #tpu.memory_space<hbm>> -> memref<8x1024xf32, #tpu.memory_space<hbm>>
      %dma_start3A_359 = arith.constant 0 : i32
      %dma_start3A_360 = tpu.memref_slice %arg4[%add3A_351, %dma_start3A_359] : memref<32768x1024xf32, #tpu.memory_space<hbm>> -> memref<8x1024xf32, #tpu.memory_space<hbm>>
      %dma_start3A_361 = arith.constant 0 : i32
      %dma_start3A_362 = arith.constant 0 : i32
      %dma_start3A_363 = tpu.memref_slice %arg6[%dma_start3A_352, %dma_start3A_361, %dma_start3A_362] : memref<8x8x1024xf32, #tpu.memory_space<vmem>> -> memref<1x8x1024xf32, #tpu.memory_space<vmem>>
      %dma_start3A_364 = tpu.memref_squeeze %dma_start3A_363 : memref<1x8x1024xf32, #tpu.memory_space<vmem>> -> memref<8x1024xf32, #tpu.memory_space<vmem>>
      tpu.enqueue_dma source(%dma_start3A_364 : memref<8x1024xf32, #tpu.memory_space<vmem>>) target(%dma_start3A_360 : memref<8x1024xf32, #tpu.memory_space<hbm>>) target_semaphore(%arg18 : memref<!tpu.dma_semaphore, #tpu.memory_space<semaphore_mem>>)
      %add3A_365 = arith.constant 8 : i32
      %add3A_366 = arith.addi %add3A_337, %add3A_365 : i32
      %lt3A_367 = arith.constant 128 : i32
      %lt3A_368 = arith.cmpi slt, %add3A_366, %lt3A_367 : i32
      %convert_element_type3A_369 = arith.extui %lt3A_368 : i1 to i32
      %cond3A_370 = arith.constant 0 : i32
      %cond3A_371 = arith.cmpi ne, %convert_element_type3A_369, %cond3A_370 : i32
      scf.if %cond3A_371 {
        %dma_wait3A_524 = arith.constant 3 : i32
        %dma_wait3A_525 = arith.constant 0 : i32
        %dma_wait3A_526 = arith.constant 0 : i32
        %dma_wait3A_527 = tpu.memref_slice %arg6[%dma_wait3A_524, %dma_wait3A_525, %dma_wait3A_526] : memref<8x8x1024xf32, #tpu.memory_space<vmem>> -> memref<1x8x1024xf32, #tpu.memory_space<vmem>>
        %dma_wait3A_528 = tpu.memref_squeeze %dma_wait3A_527 : memref<1x8x1024xf32, #tpu.memory_space<vmem>> -> memref<8x1024xf32, #tpu.memory_space<vmem>>
        %dma_wait3A_529 = arith.constant 0 : i32
        %dma_wait3A_530 = tpu.memref_slice %arg4[%add3A_351, %dma_wait3A_529] : memref<32768x1024xf32, #tpu.memory_space<hbm>> -> memref<8x1024xf32, #tpu.memory_space<hbm>>
        %dma_wait3A_531 = arith.constant 0 : i32
        %dma_wait3A_532 = tpu.memref_slice %arg4[%add3A_351, %dma_wait3A_531] : memref<32768x1024xf32, #tpu.memory_space<hbm>> -> memref<8x1024xf32, #tpu.memory_space<hbm>>
        %dma_wait3A_533 = arith.constant 0 : i32
        %dma_wait3A_534 = arith.constant 0 : i32
        %dma_wait3A_535 = tpu.memref_slice %arg6[%dma_wait3A_524, %dma_wait3A_533, %dma_wait3A_534] : memref<8x8x1024xf32, #tpu.memory_space<vmem>> -> memref<1x8x1024xf32, #tpu.memory_space<vmem>>
        %dma_wait3A_536 = tpu.memref_squeeze %dma_wait3A_535 : memref<1x8x1024xf32, #tpu.memory_space<vmem>> -> memref<8x1024xf32, #tpu.memory_space<vmem>>
        tpu.wait_dma2 semaphore(%arg18 : memref<!tpu.dma_semaphore, #tpu.memory_space<semaphore_mem>>) src(%dma_wait3A_536 : memref<8x1024xf32, #tpu.memory_space<vmem>>) dst(%dma_wait3A_532 : memref<8x1024xf32, #tpu.memory_space<hbm>>)
        %dma_start3A_537 = arith.constant 3 : i32
        %dma_start3A_538 = arith.constant 0 : i32
        %dma_start3A_539 = arith.constant 0 : i32
        %dma_start3A_540 = tpu.memref_slice %arg6[%dma_start3A_537, %dma_start3A_538, %dma_start3A_539] : memref<8x8x1024xf32, #tpu.memory_space<vmem>> -> memref<1x8x1024xf32, #tpu.memory_space<vmem>>
        %dma_start3A_541 = tpu.memref_squeeze %dma_start3A_540 : memref<1x8x1024xf32, #tpu.memory_space<vmem>> -> memref<8x1024xf32, #tpu.memory_space<vmem>>
        %dma_start3A_542 = arith.constant 0 : i32
        %dma_start3A_543 = tpu.memref_slice %arg5[%add3A_366, %dma_start3A_542] : memref<128x8xi32, #tpu.memory_space<vmem>> -> memref<1x8xi32, #tpu.memory_space<vmem>>
        %dma_start3A_544 = tpu.memref_squeeze %dma_start3A_543 : memref<1x8xi32, #tpu.memory_space<vmem>> -> memref<8xi32, #tpu.memory_space<vmem>>
        %dma_start3A_545 = arith.constant 0 : i32
        %dma_start3A_546 = arith.constant 0 : i32
        %dma_start3A_547 = tpu.memref_slice %arg2[%dma_start3A_545, %dma_start3A_546] : memref<32768x1024xf32, #tpu.memory_space<hbm>> -> memref<32768x1024xf32, #tpu.memory_space<hbm>>
        tpu.enqueue_indirect_dma source(%dma_start3A_547 : memref<32768x1024xf32, #tpu.memory_space<hbm>>) target(%dma_start3A_541 : memref<8x1024xf32, #tpu.memory_space<vmem>>) offsets(%dma_start3A_544 : memref<8xi32, #tpu.memory_space<vmem>>) semaphore(%arg10 : memref<!tpu.dma_semaphore, #tpu.memory_space<semaphore_mem>>)
      } else {
      }
      %mul3A_372 = arith.constant 8 : i32
      %mul3A_373 = arith.muli %scan3A_222, %mul3A_372 : i32
      %add3A_374 = arith.constant 4 : i32
      %add3A_375 = arith.addi %mul3A_373, %add3A_374 : i32
      %dma_wait3A_376 = arith.constant 4 : i32
      %dma_wait3A_377 = arith.constant 0 : i32
      %dma_wait3A_378 = arith.constant 0 : i32
      %dma_wait3A_379 = tpu.memref_slice %arg6[%dma_wait3A_376, %dma_wait3A_377, %dma_wait3A_378] : memref<8x8x1024xf32, #tpu.memory_space<vmem>> -> memref<1x8x1024xf32, #tpu.memory_space<vmem>>
      %dma_wait3A_380 = tpu.memref_squeeze %dma_wait3A_379 : memref<1x8x1024xf32, #tpu.memory_space<vmem>> -> memref<8x1024xf32, #tpu.memory_space<vmem>>
      %dma_wait3A_381 = arith.constant 0 : i32
      %dma_wait3A_382 = tpu.memref_slice %arg5[%add3A_375, %dma_wait3A_381] : memref<128x8xi32, #tpu.memory_space<vmem>> -> memref<1x8xi32, #tpu.memory_space<vmem>>
      %dma_wait3A_383 = tpu.memref_squeeze %dma_wait3A_382 : memref<1x8xi32, #tpu.memory_space<vmem>> -> memref<8xi32, #tpu.memory_space<vmem>>
      %dma_wait3A_384 = arith.constant 0 : i32
      %dma_wait3A_385 = arith.constant 0 : i32
      %dma_wait3A_386 = tpu.memref_slice %arg2[%dma_wait3A_384, %dma_wait3A_385] : memref<32768x1024xf32, #tpu.memory_space<hbm>> -> memref<32768x1024xf32, #tpu.memory_space<hbm>>
      tpu.wait_indirect_dma semaphore(%arg11 : memref<!tpu.dma_semaphore, #tpu.memory_space<semaphore_mem>>) src(%dma_wait3A_386 : memref<32768x1024xf32, #tpu.memory_space<hbm>>) dst(%dma_wait3A_380 : memref<8x1024xf32, #tpu.memory_space<vmem>>)
      %mul3A_387 = arith.constant 8 : i32
      %mul3A_388 = arith.muli %add3A_375, %mul3A_387 : i32
      %add3A_389 = arith.addi %mul3A_2, %mul3A_388 : i32
      %dma_start3A_390 = arith.constant 4 : i32
      %dma_start3A_391 = arith.constant 0 : i32
      %dma_start3A_392 = arith.constant 0 : i32
      %dma_start3A_393 = tpu.memref_slice %arg6[%dma_start3A_390, %dma_start3A_391, %dma_start3A_392] : memref<8x8x1024xf32, #tpu.memory_space<vmem>> -> memref<1x8x1024xf32, #tpu.memory_space<vmem>>
      %dma_start3A_394 = tpu.memref_squeeze %dma_start3A_393 : memref<1x8x1024xf32, #tpu.memory_space<vmem>> -> memref<8x1024xf32, #tpu.memory_space<vmem>>
      %dma_start3A_395 = arith.constant 0 : i32
      %dma_start3A_396 = tpu.memref_slice %arg4[%add3A_389, %dma_start3A_395] : memref<32768x1024xf32, #tpu.memory_space<hbm>> -> memref<8x1024xf32, #tpu.memory_space<hbm>>
      %dma_start3A_397 = arith.constant 0 : i32
      %dma_start3A_398 = tpu.memref_slice %arg4[%add3A_389, %dma_start3A_397] : memref<32768x1024xf32, #tpu.memory_space<hbm>> -> memref<8x1024xf32, #tpu.memory_space<hbm>>
      %dma_start3A_399 = arith.constant 0 : i32
      %dma_start3A_400 = arith.constant 0 : i32
      %dma_start3A_401 = tpu.memref_slice %arg6[%dma_start3A_390, %dma_start3A_399, %dma_start3A_400] : memref<8x8x1024xf32, #tpu.memory_space<vmem>> -> memref<1x8x1024xf32, #tpu.memory_space<vmem>>
      %dma_start3A_402 = tpu.memref_squeeze %dma_start3A_401 : memref<1x8x1024xf32, #tpu.memory_space<vmem>> -> memref<8x1024xf32, #tpu.memory_space<vmem>>
      tpu.enqueue_dma source(%dma_start3A_402 : memref<8x1024xf32, #tpu.memory_space<vmem>>) target(%dma_start3A_398 : memref<8x1024xf32, #tpu.memory_space<hbm>>) target_semaphore(%arg19 : memref<!tpu.dma_semaphore, #tpu.memory_space<semaphore_mem>>)
      %add3A_403 = arith.constant 8 : i32
      %add3A_404 = arith.addi %add3A_375, %add3A_403 : i32
      %lt3A_405 = arith.constant 128 : i32
      %lt3A_406 = arith.cmpi slt, %add3A_404, %lt3A_405 : i32
      %convert_element_type3A_407 = arith.extui %lt3A_406 : i1 to i32
      %cond3A_408 = arith.constant 0 : i32
      %cond3A_409 = arith.cmpi ne, %convert_element_type3A_407, %cond3A_408 : i32
      scf.if %cond3A_409 {
        %dma_wait3A_524 = arith.constant 4 : i32
        %dma_wait3A_525 = arith.constant 0 : i32
        %dma_wait3A_526 = arith.constant 0 : i32
        %dma_wait3A_527 = tpu.memref_slice %arg6[%dma_wait3A_524, %dma_wait3A_525, %dma_wait3A_526] : memref<8x8x1024xf32, #tpu.memory_space<vmem>> -> memref<1x8x1024xf32, #tpu.memory_space<vmem>>
        %dma_wait3A_528 = tpu.memref_squeeze %dma_wait3A_527 : memref<1x8x1024xf32, #tpu.memory_space<vmem>> -> memref<8x1024xf32, #tpu.memory_space<vmem>>
        %dma_wait3A_529 = arith.constant 0 : i32
        %dma_wait3A_530 = tpu.memref_slice %arg4[%add3A_389, %dma_wait3A_529] : memref<32768x1024xf32, #tpu.memory_space<hbm>> -> memref<8x1024xf32, #tpu.memory_space<hbm>>
        %dma_wait3A_531 = arith.constant 0 : i32
        %dma_wait3A_532 = tpu.memref_slice %arg4[%add3A_389, %dma_wait3A_531] : memref<32768x1024xf32, #tpu.memory_space<hbm>> -> memref<8x1024xf32, #tpu.memory_space<hbm>>
        %dma_wait3A_533 = arith.constant 0 : i32
        %dma_wait3A_534 = arith.constant 0 : i32
        %dma_wait3A_535 = tpu.memref_slice %arg6[%dma_wait3A_524, %dma_wait3A_533, %dma_wait3A_534] : memref<8x8x1024xf32, #tpu.memory_space<vmem>> -> memref<1x8x1024xf32, #tpu.memory_space<vmem>>
        %dma_wait3A_536 = tpu.memref_squeeze %dma_wait3A_535 : memref<1x8x1024xf32, #tpu.memory_space<vmem>> -> memref<8x1024xf32, #tpu.memory_space<vmem>>
        tpu.wait_dma2 semaphore(%arg19 : memref<!tpu.dma_semaphore, #tpu.memory_space<semaphore_mem>>) src(%dma_wait3A_536 : memref<8x1024xf32, #tpu.memory_space<vmem>>) dst(%dma_wait3A_532 : memref<8x1024xf32, #tpu.memory_space<hbm>>)
        %dma_start3A_537 = arith.constant 4 : i32
        %dma_start3A_538 = arith.constant 0 : i32
        %dma_start3A_539 = arith.constant 0 : i32
        %dma_start3A_540 = tpu.memref_slice %arg6[%dma_start3A_537, %dma_start3A_538, %dma_start3A_539] : memref<8x8x1024xf32, #tpu.memory_space<vmem>> -> memref<1x8x1024xf32, #tpu.memory_space<vmem>>
        %dma_start3A_541 = tpu.memref_squeeze %dma_start3A_540 : memref<1x8x1024xf32, #tpu.memory_space<vmem>> -> memref<8x1024xf32, #tpu.memory_space<vmem>>
        %dma_start3A_542 = arith.constant 0 : i32
        %dma_start3A_543 = tpu.memref_slice %arg5[%add3A_404, %dma_start3A_542] : memref<128x8xi32, #tpu.memory_space<vmem>> -> memref<1x8xi32, #tpu.memory_space<vmem>>
        %dma_start3A_544 = tpu.memref_squeeze %dma_start3A_543 : memref<1x8xi32, #tpu.memory_space<vmem>> -> memref<8xi32, #tpu.memory_space<vmem>>
        %dma_start3A_545 = arith.constant 0 : i32
        %dma_start3A_546 = arith.constant 0 : i32
        %dma_start3A_547 = tpu.memref_slice %arg2[%dma_start3A_545, %dma_start3A_546] : memref<32768x1024xf32, #tpu.memory_space<hbm>> -> memref<32768x1024xf32, #tpu.memory_space<hbm>>
        tpu.enqueue_indirect_dma source(%dma_start3A_547 : memref<32768x1024xf32, #tpu.memory_space<hbm>>) target(%dma_start3A_541 : memref<8x1024xf32, #tpu.memory_space<vmem>>) offsets(%dma_start3A_544 : memref<8xi32, #tpu.memory_space<vmem>>) semaphore(%arg11 : memref<!tpu.dma_semaphore, #tpu.memory_space<semaphore_mem>>)
      } else {
      }
      %mul3A_410 = arith.constant 8 : i32
      %mul3A_411 = arith.muli %scan3A_222, %mul3A_410 : i32
      %add3A_412 = arith.constant 5 : i32
      %add3A_413 = arith.addi %mul3A_411, %add3A_412 : i32
      %dma_wait3A_414 = arith.constant 5 : i32
      %dma_wait3A_415 = arith.constant 0 : i32
      %dma_wait3A_416 = arith.constant 0 : i32
      %dma_wait3A_417 = tpu.memref_slice %arg6[%dma_wait3A_414, %dma_wait3A_415, %dma_wait3A_416] : memref<8x8x1024xf32, #tpu.memory_space<vmem>> -> memref<1x8x1024xf32, #tpu.memory_space<vmem>>
      %dma_wait3A_418 = tpu.memref_squeeze %dma_wait3A_417 : memref<1x8x1024xf32, #tpu.memory_space<vmem>> -> memref<8x1024xf32, #tpu.memory_space<vmem>>
      %dma_wait3A_419 = arith.constant 0 : i32
      %dma_wait3A_420 = tpu.memref_slice %arg5[%add3A_413, %dma_wait3A_419] : memref<128x8xi32, #tpu.memory_space<vmem>> -> memref<1x8xi32, #tpu.memory_space<vmem>>
      %dma_wait3A_421 = tpu.memref_squeeze %dma_wait3A_420 : memref<1x8xi32, #tpu.memory_space<vmem>> -> memref<8xi32, #tpu.memory_space<vmem>>
      %dma_wait3A_422 = arith.constant 0 : i32
      %dma_wait3A_423 = arith.constant 0 : i32
      %dma_wait3A_424 = tpu.memref_slice %arg2[%dma_wait3A_422, %dma_wait3A_423] : memref<32768x1024xf32, #tpu.memory_space<hbm>> -> memref<32768x1024xf32, #tpu.memory_space<hbm>>
      tpu.wait_indirect_dma semaphore(%arg12 : memref<!tpu.dma_semaphore, #tpu.memory_space<semaphore_mem>>) src(%dma_wait3A_424 : memref<32768x1024xf32, #tpu.memory_space<hbm>>) dst(%dma_wait3A_418 : memref<8x1024xf32, #tpu.memory_space<vmem>>)
      %mul3A_425 = arith.constant 8 : i32
      %mul3A_426 = arith.muli %add3A_413, %mul3A_425 : i32
      %add3A_427 = arith.addi %mul3A_2, %mul3A_426 : i32
      %dma_start3A_428 = arith.constant 5 : i32
      %dma_start3A_429 = arith.constant 0 : i32
      %dma_start3A_430 = arith.constant 0 : i32
      %dma_start3A_431 = tpu.memref_slice %arg6[%dma_start3A_428, %dma_start3A_429, %dma_start3A_430] : memref<8x8x1024xf32, #tpu.memory_space<vmem>> -> memref<1x8x1024xf32, #tpu.memory_space<vmem>>
      %dma_start3A_432 = tpu.memref_squeeze %dma_start3A_431 : memref<1x8x1024xf32, #tpu.memory_space<vmem>> -> memref<8x1024xf32, #tpu.memory_space<vmem>>
      %dma_start3A_433 = arith.constant 0 : i32
      %dma_start3A_434 = tpu.memref_slice %arg4[%add3A_427, %dma_start3A_433] : memref<32768x1024xf32, #tpu.memory_space<hbm>> -> memref<8x1024xf32, #tpu.memory_space<hbm>>
      %dma_start3A_435 = arith.constant 0 : i32
      %dma_start3A_436 = tpu.memref_slice %arg4[%add3A_427, %dma_start3A_435] : memref<32768x1024xf32, #tpu.memory_space<hbm>> -> memref<8x1024xf32, #tpu.memory_space<hbm>>
      %dma_start3A_437 = arith.constant 0 : i32
      %dma_start3A_438 = arith.constant 0 : i32
      %dma_start3A_439 = tpu.memref_slice %arg6[%dma_start3A_428, %dma_start3A_437, %dma_start3A_438] : memref<8x8x1024xf32, #tpu.memory_space<vmem>> -> memref<1x8x1024xf32, #tpu.memory_space<vmem>>
      %dma_start3A_440 = tpu.memref_squeeze %dma_start3A_439 : memref<1x8x1024xf32, #tpu.memory_space<vmem>> -> memref<8x1024xf32, #tpu.memory_space<vmem>>
      tpu.enqueue_dma source(%dma_start3A_440 : memref<8x1024xf32, #tpu.memory_space<vmem>>) target(%dma_start3A_436 : memref<8x1024xf32, #tpu.memory_space<hbm>>) target_semaphore(%arg20 : memref<!tpu.dma_semaphore, #tpu.memory_space<semaphore_mem>>)
      %add3A_441 = arith.constant 8 : i32
      %add3A_442 = arith.addi %add3A_413, %add3A_441 : i32
      %lt3A_443 = arith.constant 128 : i32
      %lt3A_444 = arith.cmpi slt, %add3A_442, %lt3A_443 : i32
      %convert_element_type3A_445 = arith.extui %lt3A_444 : i1 to i32
      %cond3A_446 = arith.constant 0 : i32
      %cond3A_447 = arith.cmpi ne, %convert_element_type3A_445, %cond3A_446 : i32
      scf.if %cond3A_447 {
        %dma_wait3A_524 = arith.constant 5 : i32
        %dma_wait3A_525 = arith.constant 0 : i32
        %dma_wait3A_526 = arith.constant 0 : i32
        %dma_wait3A_527 = tpu.memref_slice %arg6[%dma_wait3A_524, %dma_wait3A_525, %dma_wait3A_526] : memref<8x8x1024xf32, #tpu.memory_space<vmem>> -> memref<1x8x1024xf32, #tpu.memory_space<vmem>>
        %dma_wait3A_528 = tpu.memref_squeeze %dma_wait3A_527 : memref<1x8x1024xf32, #tpu.memory_space<vmem>> -> memref<8x1024xf32, #tpu.memory_space<vmem>>
        %dma_wait3A_529 = arith.constant 0 : i32
        %dma_wait3A_530 = tpu.memref_slice %arg4[%add3A_427, %dma_wait3A_529] : memref<32768x1024xf32, #tpu.memory_space<hbm>> -> memref<8x1024xf32, #tpu.memory_space<hbm>>
        %dma_wait3A_531 = arith.constant 0 : i32
        %dma_wait3A_532 = tpu.memref_slice %arg4[%add3A_427, %dma_wait3A_531] : memref<32768x1024xf32, #tpu.memory_space<hbm>> -> memref<8x1024xf32, #tpu.memory_space<hbm>>
        %dma_wait3A_533 = arith.constant 0 : i32
        %dma_wait3A_534 = arith.constant 0 : i32
        %dma_wait3A_535 = tpu.memref_slice %arg6[%dma_wait3A_524, %dma_wait3A_533, %dma_wait3A_534] : memref<8x8x1024xf32, #tpu.memory_space<vmem>> -> memref<1x8x1024xf32, #tpu.memory_space<vmem>>
        %dma_wait3A_536 = tpu.memref_squeeze %dma_wait3A_535 : memref<1x8x1024xf32, #tpu.memory_space<vmem>> -> memref<8x1024xf32, #tpu.memory_space<vmem>>
        tpu.wait_dma2 semaphore(%arg20 : memref<!tpu.dma_semaphore, #tpu.memory_space<semaphore_mem>>) src(%dma_wait3A_536 : memref<8x1024xf32, #tpu.memory_space<vmem>>) dst(%dma_wait3A_532 : memref<8x1024xf32, #tpu.memory_space<hbm>>)
        %dma_start3A_537 = arith.constant 5 : i32
        %dma_start3A_538 = arith.constant 0 : i32
        %dma_start3A_539 = arith.constant 0 : i32
        %dma_start3A_540 = tpu.memref_slice %arg6[%dma_start3A_537, %dma_start3A_538, %dma_start3A_539] : memref<8x8x1024xf32, #tpu.memory_space<vmem>> -> memref<1x8x1024xf32, #tpu.memory_space<vmem>>
        %dma_start3A_541 = tpu.memref_squeeze %dma_start3A_540 : memref<1x8x1024xf32, #tpu.memory_space<vmem>> -> memref<8x1024xf32, #tpu.memory_space<vmem>>
        %dma_start3A_542 = arith.constant 0 : i32
        %dma_start3A_543 = tpu.memref_slice %arg5[%add3A_442, %dma_start3A_542] : memref<128x8xi32, #tpu.memory_space<vmem>> -> memref<1x8xi32, #tpu.memory_space<vmem>>
        %dma_start3A_544 = tpu.memref_squeeze %dma_start3A_543 : memref<1x8xi32, #tpu.memory_space<vmem>> -> memref<8xi32, #tpu.memory_space<vmem>>
        %dma_start3A_545 = arith.constant 0 : i32
        %dma_start3A_546 = arith.constant 0 : i32
        %dma_start3A_547 = tpu.memref_slice %arg2[%dma_start3A_545, %dma_start3A_546] : memref<32768x1024xf32, #tpu.memory_space<hbm>> -> memref<32768x1024xf32, #tpu.memory_space<hbm>>
        tpu.enqueue_indirect_dma source(%dma_start3A_547 : memref<32768x1024xf32, #tpu.memory_space<hbm>>) target(%dma_start3A_541 : memref<8x1024xf32, #tpu.memory_space<vmem>>) offsets(%dma_start3A_544 : memref<8xi32, #tpu.memory_space<vmem>>) semaphore(%arg12 : memref<!tpu.dma_semaphore, #tpu.memory_space<semaphore_mem>>)
      } else {
      }
      %mul3A_448 = arith.constant 8 : i32
      %mul3A_449 = arith.muli %scan3A_222, %mul3A_448 : i32
      %add3A_450 = arith.constant 6 : i32
      %add3A_451 = arith.addi %mul3A_449, %add3A_450 : i32
      %dma_wait3A_452 = arith.constant 6 : i32
      %dma_wait3A_453 = arith.constant 0 : i32
      %dma_wait3A_454 = arith.constant 0 : i32
      %dma_wait3A_455 = tpu.memref_slice %arg6[%dma_wait3A_452, %dma_wait3A_453, %dma_wait3A_454] : memref<8x8x1024xf32, #tpu.memory_space<vmem>> -> memref<1x8x1024xf32, #tpu.memory_space<vmem>>
      %dma_wait3A_456 = tpu.memref_squeeze %dma_wait3A_455 : memref<1x8x1024xf32, #tpu.memory_space<vmem>> -> memref<8x1024xf32, #tpu.memory_space<vmem>>
      %dma_wait3A_457 = arith.constant 0 : i32
      %dma_wait3A_458 = tpu.memref_slice %arg5[%add3A_451, %dma_wait3A_457] : memref<128x8xi32, #tpu.memory_space<vmem>> -> memref<1x8xi32, #tpu.memory_space<vmem>>
      %dma_wait3A_459 = tpu.memref_squeeze %dma_wait3A_458 : memref<1x8xi32, #tpu.memory_space<vmem>> -> memref<8xi32, #tpu.memory_space<vmem>>
      %dma_wait3A_460 = arith.constant 0 : i32
      %dma_wait3A_461 = arith.constant 0 : i32
      %dma_wait3A_462 = tpu.memref_slice %arg2[%dma_wait3A_460, %dma_wait3A_461] : memref<32768x1024xf32, #tpu.memory_space<hbm>> -> memref<32768x1024xf32, #tpu.memory_space<hbm>>
      tpu.wait_indirect_dma semaphore(%arg13 : memref<!tpu.dma_semaphore, #tpu.memory_space<semaphore_mem>>) src(%dma_wait3A_462 : memref<32768x1024xf32, #tpu.memory_space<hbm>>) dst(%dma_wait3A_456 : memref<8x1024xf32, #tpu.memory_space<vmem>>)
      %mul3A_463 = arith.constant 8 : i32
      %mul3A_464 = arith.muli %add3A_451, %mul3A_463 : i32
      %add3A_465 = arith.addi %mul3A_2, %mul3A_464 : i32
      %dma_start3A_466 = arith.constant 6 : i32
      %dma_start3A_467 = arith.constant 0 : i32
      %dma_start3A_468 = arith.constant 0 : i32
      %dma_start3A_469 = tpu.memref_slice %arg6[%dma_start3A_466, %dma_start3A_467, %dma_start3A_468] : memref<8x8x1024xf32, #tpu.memory_space<vmem>> -> memref<1x8x1024xf32, #tpu.memory_space<vmem>>
      %dma_start3A_470 = tpu.memref_squeeze %dma_start3A_469 : memref<1x8x1024xf32, #tpu.memory_space<vmem>> -> memref<8x1024xf32, #tpu.memory_space<vmem>>
      %dma_start3A_471 = arith.constant 0 : i32
      %dma_start3A_472 = tpu.memref_slice %arg4[%add3A_465, %dma_start3A_471] : memref<32768x1024xf32, #tpu.memory_space<hbm>> -> memref<8x1024xf32, #tpu.memory_space<hbm>>
      %dma_start3A_473 = arith.constant 0 : i32
      %dma_start3A_474 = tpu.memref_slice %arg4[%add3A_465, %dma_start3A_473] : memref<32768x1024xf32, #tpu.memory_space<hbm>> -> memref<8x1024xf32, #tpu.memory_space<hbm>>
      %dma_start3A_475 = arith.constant 0 : i32
      %dma_start3A_476 = arith.constant 0 : i32
      %dma_start3A_477 = tpu.memref_slice %arg6[%dma_start3A_466, %dma_start3A_475, %dma_start3A_476] : memref<8x8x1024xf32, #tpu.memory_space<vmem>> -> memref<1x8x1024xf32, #tpu.memory_space<vmem>>
      %dma_start3A_478 = tpu.memref_squeeze %dma_start3A_477 : memref<1x8x1024xf32, #tpu.memory_space<vmem>> -> memref<8x1024xf32, #tpu.memory_space<vmem>>
      tpu.enqueue_dma source(%dma_start3A_478 : memref<8x1024xf32, #tpu.memory_space<vmem>>) target(%dma_start3A_474 : memref<8x1024xf32, #tpu.memory_space<hbm>>) target_semaphore(%arg21 : memref<!tpu.dma_semaphore, #tpu.memory_space<semaphore_mem>>)
      %add3A_479 = arith.constant 8 : i32
      %add3A_480 = arith.addi %add3A_451, %add3A_479 : i32
      %lt3A_481 = arith.constant 128 : i32
      %lt3A_482 = arith.cmpi slt, %add3A_480, %lt3A_481 : i32
      %convert_element_type3A_483 = arith.extui %lt3A_482 : i1 to i32
      %cond3A_484 = arith.constant 0 : i32
      %cond3A_485 = arith.cmpi ne, %convert_element_type3A_483, %cond3A_484 : i32
      scf.if %cond3A_485 {
        %dma_wait3A_524 = arith.constant 6 : i32
        %dma_wait3A_525 = arith.constant 0 : i32
        %dma_wait3A_526 = arith.constant 0 : i32
        %dma_wait3A_527 = tpu.memref_slice %arg6[%dma_wait3A_524, %dma_wait3A_525, %dma_wait3A_526] : memref<8x8x1024xf32, #tpu.memory_space<vmem>> -> memref<1x8x1024xf32, #tpu.memory_space<vmem>>
        %dma_wait3A_528 = tpu.memref_squeeze %dma_wait3A_527 : memref<1x8x1024xf32, #tpu.memory_space<vmem>> -> memref<8x1024xf32, #tpu.memory_space<vmem>>
        %dma_wait3A_529 = arith.constant 0 : i32
        %dma_wait3A_530 = tpu.memref_slice %arg4[%add3A_465, %dma_wait3A_529] : memref<32768x1024xf32, #tpu.memory_space<hbm>> -> memref<8x1024xf32, #tpu.memory_space<hbm>>
        %dma_wait3A_531 = arith.constant 0 : i32
        %dma_wait3A_532 = tpu.memref_slice %arg4[%add3A_465, %dma_wait3A_531] : memref<32768x1024xf32, #tpu.memory_space<hbm>> -> memref<8x1024xf32, #tpu.memory_space<hbm>>
        %dma_wait3A_533 = arith.constant 0 : i32
        %dma_wait3A_534 = arith.constant 0 : i32
        %dma_wait3A_535 = tpu.memref_slice %arg6[%dma_wait3A_524, %dma_wait3A_533, %dma_wait3A_534] : memref<8x8x1024xf32, #tpu.memory_space<vmem>> -> memref<1x8x1024xf32, #tpu.memory_space<vmem>>
        %dma_wait3A_536 = tpu.memref_squeeze %dma_wait3A_535 : memref<1x8x1024xf32, #tpu.memory_space<vmem>> -> memref<8x1024xf32, #tpu.memory_space<vmem>>
        tpu.wait_dma2 semaphore(%arg21 : memref<!tpu.dma_semaphore, #tpu.memory_space<semaphore_mem>>) src(%dma_wait3A_536 : memref<8x1024xf32, #tpu.memory_space<vmem>>) dst(%dma_wait3A_532 : memref<8x1024xf32, #tpu.memory_space<hbm>>)
        %dma_start3A_537 = arith.constant 6 : i32
        %dma_start3A_538 = arith.constant 0 : i32
        %dma_start3A_539 = arith.constant 0 : i32
        %dma_start3A_540 = tpu.memref_slice %arg6[%dma_start3A_537, %dma_start3A_538, %dma_start3A_539] : memref<8x8x1024xf32, #tpu.memory_space<vmem>> -> memref<1x8x1024xf32, #tpu.memory_space<vmem>>
        %dma_start3A_541 = tpu.memref_squeeze %dma_start3A_540 : memref<1x8x1024xf32, #tpu.memory_space<vmem>> -> memref<8x1024xf32, #tpu.memory_space<vmem>>
        %dma_start3A_542 = arith.constant 0 : i32
        %dma_start3A_543 = tpu.memref_slice %arg5[%add3A_480, %dma_start3A_542] : memref<128x8xi32, #tpu.memory_space<vmem>> -> memref<1x8xi32, #tpu.memory_space<vmem>>
        %dma_start3A_544 = tpu.memref_squeeze %dma_start3A_543 : memref<1x8xi32, #tpu.memory_space<vmem>> -> memref<8xi32, #tpu.memory_space<vmem>>
        %dma_start3A_545 = arith.constant 0 : i32
        %dma_start3A_546 = arith.constant 0 : i32
        %dma_start3A_547 = tpu.memref_slice %arg2[%dma_start3A_545, %dma_start3A_546] : memref<32768x1024xf32, #tpu.memory_space<hbm>> -> memref<32768x1024xf32, #tpu.memory_space<hbm>>
        tpu.enqueue_indirect_dma source(%dma_start3A_547 : memref<32768x1024xf32, #tpu.memory_space<hbm>>) target(%dma_start3A_541 : memref<8x1024xf32, #tpu.memory_space<vmem>>) offsets(%dma_start3A_544 : memref<8xi32, #tpu.memory_space<vmem>>) semaphore(%arg13 : memref<!tpu.dma_semaphore, #tpu.memory_space<semaphore_mem>>)
      } else {
      }
      %mul3A_486 = arith.constant 8 : i32
      %mul3A_487 = arith.muli %scan3A_222, %mul3A_486 : i32
      %add3A_488 = arith.constant 7 : i32
      %add3A_489 = arith.addi %mul3A_487, %add3A_488 : i32
      %dma_wait3A_490 = arith.constant 7 : i32
      %dma_wait3A_491 = arith.constant 0 : i32
      %dma_wait3A_492 = arith.constant 0 : i32
      %dma_wait3A_493 = tpu.memref_slice %arg6[%dma_wait3A_490, %dma_wait3A_491, %dma_wait3A_492] : memref<8x8x1024xf32, #tpu.memory_space<vmem>> -> memref<1x8x1024xf32, #tpu.memory_space<vmem>>
      %dma_wait3A_494 = tpu.memref_squeeze %dma_wait3A_493 : memref<1x8x1024xf32, #tpu.memory_space<vmem>> -> memref<8x1024xf32, #tpu.memory_space<vmem>>
      %dma_wait3A_495 = arith.constant 0 : i32
      %dma_wait3A_496 = tpu.memref_slice %arg5[%add3A_489, %dma_wait3A_495] : memref<128x8xi32, #tpu.memory_space<vmem>> -> memref<1x8xi32, #tpu.memory_space<vmem>>
      %dma_wait3A_497 = tpu.memref_squeeze %dma_wait3A_496 : memref<1x8xi32, #tpu.memory_space<vmem>> -> memref<8xi32, #tpu.memory_space<vmem>>
      %dma_wait3A_498 = arith.constant 0 : i32
      %dma_wait3A_499 = arith.constant 0 : i32
      %dma_wait3A_500 = tpu.memref_slice %arg2[%dma_wait3A_498, %dma_wait3A_499] : memref<32768x1024xf32, #tpu.memory_space<hbm>> -> memref<32768x1024xf32, #tpu.memory_space<hbm>>
      tpu.wait_indirect_dma semaphore(%arg14 : memref<!tpu.dma_semaphore, #tpu.memory_space<semaphore_mem>>) src(%dma_wait3A_500 : memref<32768x1024xf32, #tpu.memory_space<hbm>>) dst(%dma_wait3A_494 : memref<8x1024xf32, #tpu.memory_space<vmem>>)
      %mul3A_501 = arith.constant 8 : i32
      %mul3A_502 = arith.muli %add3A_489, %mul3A_501 : i32
      %add3A_503 = arith.addi %mul3A_2, %mul3A_502 : i32
      %dma_start3A_504 = arith.constant 7 : i32
      %dma_start3A_505 = arith.constant 0 : i32
      %dma_start3A_506 = arith.constant 0 : i32
      %dma_start3A_507 = tpu.memref_slice %arg6[%dma_start3A_504, %dma_start3A_505, %dma_start3A_506] : memref<8x8x1024xf32, #tpu.memory_space<vmem>> -> memref<1x8x1024xf32, #tpu.memory_space<vmem>>
      %dma_start3A_508 = tpu.memref_squeeze %dma_start3A_507 : memref<1x8x1024xf32, #tpu.memory_space<vmem>> -> memref<8x1024xf32, #tpu.memory_space<vmem>>
      %dma_start3A_509 = arith.constant 0 : i32
      %dma_start3A_510 = tpu.memref_slice %arg4[%add3A_503, %dma_start3A_509] : memref<32768x1024xf32, #tpu.memory_space<hbm>> -> memref<8x1024xf32, #tpu.memory_space<hbm>>
      %dma_start3A_511 = arith.constant 0 : i32
      %dma_start3A_512 = tpu.memref_slice %arg4[%add3A_503, %dma_start3A_511] : memref<32768x1024xf32, #tpu.memory_space<hbm>> -> memref<8x1024xf32, #tpu.memory_space<hbm>>
      %dma_start3A_513 = arith.constant 0 : i32
      %dma_start3A_514 = arith.constant 0 : i32
      %dma_start3A_515 = tpu.memref_slice %arg6[%dma_start3A_504, %dma_start3A_513, %dma_start3A_514] : memref<8x8x1024xf32, #tpu.memory_space<vmem>> -> memref<1x8x1024xf32, #tpu.memory_space<vmem>>
      %dma_start3A_516 = tpu.memref_squeeze %dma_start3A_515 : memref<1x8x1024xf32, #tpu.memory_space<vmem>> -> memref<8x1024xf32, #tpu.memory_space<vmem>>
      tpu.enqueue_dma source(%dma_start3A_516 : memref<8x1024xf32, #tpu.memory_space<vmem>>) target(%dma_start3A_512 : memref<8x1024xf32, #tpu.memory_space<hbm>>) target_semaphore(%arg22 : memref<!tpu.dma_semaphore, #tpu.memory_space<semaphore_mem>>)
      %add3A_517 = arith.constant 8 : i32
      %add3A_518 = arith.addi %add3A_489, %add3A_517 : i32
      %lt3A_519 = arith.constant 128 : i32
      %lt3A_520 = arith.cmpi slt, %add3A_518, %lt3A_519 : i32
      %convert_element_type3A_521 = arith.extui %lt3A_520 : i1 to i32
      %cond3A_522 = arith.constant 0 : i32
      %cond3A_523 = arith.cmpi ne, %convert_element_type3A_521, %cond3A_522 : i32
      scf.if %cond3A_523 {
        %dma_wait3A_524 = arith.constant 7 : i32
        %dma_wait3A_525 = arith.constant 0 : i32
        %dma_wait3A_526 = arith.constant 0 : i32
        %dma_wait3A_527 = tpu.memref_slice %arg6[%dma_wait3A_524, %dma_wait3A_525, %dma_wait3A_526] : memref<8x8x1024xf32, #tpu.memory_space<vmem>> -> memref<1x8x1024xf32, #tpu.memory_space<vmem>>
        %dma_wait3A_528 = tpu.memref_squeeze %dma_wait3A_527 : memref<1x8x1024xf32, #tpu.memory_space<vmem>> -> memref<8x1024xf32, #tpu.memory_space<vmem>>
        %dma_wait3A_529 = arith.constant 0 : i32
        %dma_wait3A_530 = tpu.memref_slice %arg4[%add3A_503, %dma_wait3A_529] : memref<32768x1024xf32, #tpu.memory_space<hbm>> -> memref<8x1024xf32, #tpu.memory_space<hbm>>
        %dma_wait3A_531 = arith.constant 0 : i32
        %dma_wait3A_532 = tpu.memref_slice %arg4[%add3A_503, %dma_wait3A_531] : memref<32768x1024xf32, #tpu.memory_space<hbm>> -> memref<8x1024xf32, #tpu.memory_space<hbm>>
        %dma_wait3A_533 = arith.constant 0 : i32
        %dma_wait3A_534 = arith.constant 0 : i32
        %dma_wait3A_535 = tpu.memref_slice %arg6[%dma_wait3A_524, %dma_wait3A_533, %dma_wait3A_534] : memref<8x8x1024xf32, #tpu.memory_space<vmem>> -> memref<1x8x1024xf32, #tpu.memory_space<vmem>>
        %dma_wait3A_536 = tpu.memref_squeeze %dma_wait3A_535 : memref<1x8x1024xf32, #tpu.memory_space<vmem>> -> memref<8x1024xf32, #tpu.memory_space<vmem>>
        tpu.wait_dma2 semaphore(%arg22 : memref<!tpu.dma_semaphore, #tpu.memory_space<semaphore_mem>>) src(%dma_wait3A_536 : memref<8x1024xf32, #tpu.memory_space<vmem>>) dst(%dma_wait3A_532 : memref<8x1024xf32, #tpu.memory_space<hbm>>)
        %dma_start3A_537 = arith.constant 7 : i32
        %dma_start3A_538 = arith.constant 0 : i32
        %dma_start3A_539 = arith.constant 0 : i32
        %dma_start3A_540 = tpu.memref_slice %arg6[%dma_start3A_537, %dma_start3A_538, %dma_start3A_539] : memref<8x8x1024xf32, #tpu.memory_space<vmem>> -> memref<1x8x1024xf32, #tpu.memory_space<vmem>>
        %dma_start3A_541 = tpu.memref_squeeze %dma_start3A_540 : memref<1x8x1024xf32, #tpu.memory_space<vmem>> -> memref<8x1024xf32, #tpu.memory_space<vmem>>
        %dma_start3A_542 = arith.constant 0 : i32
        %dma_start3A_543 = tpu.memref_slice %arg5[%add3A_518, %dma_start3A_542] : memref<128x8xi32, #tpu.memory_space<vmem>> -> memref<1x8xi32, #tpu.memory_space<vmem>>
        %dma_start3A_544 = tpu.memref_squeeze %dma_start3A_543 : memref<1x8xi32, #tpu.memory_space<vmem>> -> memref<8xi32, #tpu.memory_space<vmem>>
        %dma_start3A_545 = arith.constant 0 : i32
        %dma_start3A_546 = arith.constant 0 : i32
        %dma_start3A_547 = tpu.memref_slice %arg2[%dma_start3A_545, %dma_start3A_546] : memref<32768x1024xf32, #tpu.memory_space<hbm>> -> memref<32768x1024xf32, #tpu.memory_space<hbm>>
        tpu.enqueue_indirect_dma source(%dma_start3A_547 : memref<32768x1024xf32, #tpu.memory_space<hbm>>) target(%dma_start3A_541 : memref<8x1024xf32, #tpu.memory_space<vmem>>) offsets(%dma_start3A_544 : memref<8xi32, #tpu.memory_space<vmem>>) semaphore(%arg14 : memref<!tpu.dma_semaphore, #tpu.memory_space<semaphore_mem>>)
      } else {
      }
    }
    %scan3A_117 = arith.constant 16 : i32
    %dma_wait3A_118 = arith.constant 0 : i32
    %dma_wait3A_119 = arith.constant 0 : i32
    %dma_wait3A_120 = arith.constant 0 : i32
    %dma_wait3A_121 = tpu.memref_slice %arg6[%dma_wait3A_118, %dma_wait3A_119, %dma_wait3A_120] : memref<8x8x1024xf32, #tpu.memory_space<vmem>> -> memref<1x8x1024xf32, #tpu.memory_space<vmem>>
    %dma_wait3A_122 = tpu.memref_squeeze %dma_wait3A_121 : memref<1x8x1024xf32, #tpu.memory_space<vmem>> -> memref<8x1024xf32, #tpu.memory_space<vmem>>
    %dma_wait3A_123 = arith.constant 0 : i32
    %dma_wait3A_124 = tpu.memref_slice %arg4[%mul3A_2, %dma_wait3A_123] : memref<32768x1024xf32, #tpu.memory_space<hbm>> -> memref<8x1024xf32, #tpu.memory_space<hbm>>
    %dma_wait3A_125 = arith.constant 0 : i32
    %dma_wait3A_126 = tpu.memref_slice %arg4[%mul3A_2, %dma_wait3A_125] : memref<32768x1024xf32, #tpu.memory_space<hbm>> -> memref<8x1024xf32, #tpu.memory_space<hbm>>
    %dma_wait3A_127 = arith.constant 0 : i32
    %dma_wait3A_128 = arith.constant 0 : i32
    %dma_wait3A_129 = tpu.memref_slice %arg6[%dma_wait3A_118, %dma_wait3A_127, %dma_wait3A_128] : memref<8x8x1024xf32, #tpu.memory_space<vmem>> -> memref<1x8x1024xf32, #tpu.memory_space<vmem>>
    %dma_wait3A_130 = tpu.memref_squeeze %dma_wait3A_129 : memref<1x8x1024xf32, #tpu.memory_space<vmem>> -> memref<8x1024xf32, #tpu.memory_space<vmem>>
    tpu.wait_dma2 semaphore(%arg15 : memref<!tpu.dma_semaphore, #tpu.memory_space<semaphore_mem>>) src(%dma_wait3A_130 : memref<8x1024xf32, #tpu.memory_space<vmem>>) dst(%dma_wait3A_126 : memref<8x1024xf32, #tpu.memory_space<hbm>>)
    %dma_wait3A_131 = arith.constant 1 : i32
    %dma_wait3A_132 = arith.constant 0 : i32
    %dma_wait3A_133 = arith.constant 0 : i32
    %dma_wait3A_134 = tpu.memref_slice %arg6[%dma_wait3A_131, %dma_wait3A_132, %dma_wait3A_133] : memref<8x8x1024xf32, #tpu.memory_space<vmem>> -> memref<1x8x1024xf32, #tpu.memory_space<vmem>>
    %dma_wait3A_135 = tpu.memref_squeeze %dma_wait3A_134 : memref<1x8x1024xf32, #tpu.memory_space<vmem>> -> memref<8x1024xf32, #tpu.memory_space<vmem>>
    %dma_wait3A_136 = arith.constant 0 : i32
    %dma_wait3A_137 = tpu.memref_slice %arg4[%mul3A_2, %dma_wait3A_136] : memref<32768x1024xf32, #tpu.memory_space<hbm>> -> memref<8x1024xf32, #tpu.memory_space<hbm>>
    %dma_wait3A_138 = arith.constant 0 : i32
    %dma_wait3A_139 = tpu.memref_slice %arg4[%mul3A_2, %dma_wait3A_138] : memref<32768x1024xf32, #tpu.memory_space<hbm>> -> memref<8x1024xf32, #tpu.memory_space<hbm>>
    %dma_wait3A_140 = arith.constant 0 : i32
    %dma_wait3A_141 = arith.constant 0 : i32
    %dma_wait3A_142 = tpu.memref_slice %arg6[%dma_wait3A_131, %dma_wait3A_140, %dma_wait3A_141] : memref<8x8x1024xf32, #tpu.memory_space<vmem>> -> memref<1x8x1024xf32, #tpu.memory_space<vmem>>
    %dma_wait3A_143 = tpu.memref_squeeze %dma_wait3A_142 : memref<1x8x1024xf32, #tpu.memory_space<vmem>> -> memref<8x1024xf32, #tpu.memory_space<vmem>>
    tpu.wait_dma2 semaphore(%arg16 : memref<!tpu.dma_semaphore, #tpu.memory_space<semaphore_mem>>) src(%dma_wait3A_143 : memref<8x1024xf32, #tpu.memory_space<vmem>>) dst(%dma_wait3A_139 : memref<8x1024xf32, #tpu.memory_space<hbm>>)
    %dma_wait3A_144 = arith.constant 2 : i32
    %dma_wait3A_145 = arith.constant 0 : i32
    %dma_wait3A_146 = arith.constant 0 : i32
    %dma_wait3A_147 = tpu.memref_slice %arg6[%dma_wait3A_144, %dma_wait3A_145, %dma_wait3A_146] : memref<8x8x1024xf32, #tpu.memory_space<vmem>> -> memref<1x8x1024xf32, #tpu.memory_space<vmem>>
    %dma_wait3A_148 = tpu.memref_squeeze %dma_wait3A_147 : memref<1x8x1024xf32, #tpu.memory_space<vmem>> -> memref<8x1024xf32, #tpu.memory_space<vmem>>
    %dma_wait3A_149 = arith.constant 0 : i32
    %dma_wait3A_150 = tpu.memref_slice %arg4[%mul3A_2, %dma_wait3A_149] : memref<32768x1024xf32, #tpu.memory_space<hbm>> -> memref<8x1024xf32, #tpu.memory_space<hbm>>
    %dma_wait3A_151 = arith.constant 0 : i32
    %dma_wait3A_152 = tpu.memref_slice %arg4[%mul3A_2, %dma_wait3A_151] : memref<32768x1024xf32, #tpu.memory_space<hbm>> -> memref<8x1024xf32, #tpu.memory_space<hbm>>
    %dma_wait3A_153 = arith.constant 0 : i32
    %dma_wait3A_154 = arith.constant 0 : i32
    %dma_wait3A_155 = tpu.memref_slice %arg6[%dma_wait3A_144, %dma_wait3A_153, %dma_wait3A_154] : memref<8x8x1024xf32, #tpu.memory_space<vmem>> -> memref<1x8x1024xf32, #tpu.memory_space<vmem>>
    %dma_wait3A_156 = tpu.memref_squeeze %dma_wait3A_155 : memref<1x8x1024xf32, #tpu.memory_space<vmem>> -> memref<8x1024xf32, #tpu.memory_space<vmem>>
    tpu.wait_dma2 semaphore(%arg17 : memref<!tpu.dma_semaphore, #tpu.memory_space<semaphore_mem>>) src(%dma_wait3A_156 : memref<8x1024xf32, #tpu.memory_space<vmem>>) dst(%dma_wait3A_152 : memref<8x1024xf32, #tpu.memory_space<hbm>>)
    %dma_wait3A_157 = arith.constant 3 : i32
    %dma_wait3A_158 = arith.constant 0 : i32
    %dma_wait3A_159 = arith.constant 0 : i32
    %dma_wait3A_160 = tpu.memref_slice %arg6[%dma_wait3A_157, %dma_wait3A_158, %dma_wait3A_159] : memref<8x8x1024xf32, #tpu.memory_space<vmem>> -> memref<1x8x1024xf32, #tpu.memory_space<vmem>>
    %dma_wait3A_161 = tpu.memref_squeeze %dma_wait3A_160 : memref<1x8x1024xf32, #tpu.memory_space<vmem>> -> memref<8x1024xf32, #tpu.memory_space<vmem>>
    %dma_wait3A_162 = arith.constant 0 : i32
    %dma_wait3A_163 = tpu.memref_slice %arg4[%mul3A_2, %dma_wait3A_162] : memref<32768x1024xf32, #tpu.memory_space<hbm>> -> memref<8x1024xf32, #tpu.memory_space<hbm>>
    %dma_wait3A_164 = arith.constant 0 : i32
    %dma_wait3A_165 = tpu.memref_slice %arg4[%mul3A_2, %dma_wait3A_164] : memref<32768x1024xf32, #tpu.memory_space<hbm>> -> memref<8x1024xf32, #tpu.memory_space<hbm>>
    %dma_wait3A_166 = arith.constant 0 : i32
    %dma_wait3A_167 = arith.constant 0 : i32
    %dma_wait3A_168 = tpu.memref_slice %arg6[%dma_wait3A_157, %dma_wait3A_166, %dma_wait3A_167] : memref<8x8x1024xf32, #tpu.memory_space<vmem>> -> memref<1x8x1024xf32, #tpu.memory_space<vmem>>
    %dma_wait3A_169 = tpu.memref_squeeze %dma_wait3A_168 : memref<1x8x1024xf32, #tpu.memory_space<vmem>> -> memref<8x1024xf32, #tpu.memory_space<vmem>>
    tpu.wait_dma2 semaphore(%arg18 : memref<!tpu.dma_semaphore, #tpu.memory_space<semaphore_mem>>) src(%dma_wait3A_169 : memref<8x1024xf32, #tpu.memory_space<vmem>>) dst(%dma_wait3A_165 : memref<8x1024xf32, #tpu.memory_space<hbm>>)
    %dma_wait3A_170 = arith.constant 4 : i32
    %dma_wait3A_171 = arith.constant 0 : i32
    %dma_wait3A_172 = arith.constant 0 : i32
    %dma_wait3A_173 = tpu.memref_slice %arg6[%dma_wait3A_170, %dma_wait3A_171, %dma_wait3A_172] : memref<8x8x1024xf32, #tpu.memory_space<vmem>> -> memref<1x8x1024xf32, #tpu.memory_space<vmem>>
    %dma_wait3A_174 = tpu.memref_squeeze %dma_wait3A_173 : memref<1x8x1024xf32, #tpu.memory_space<vmem>> -> memref<8x1024xf32, #tpu.memory_space<vmem>>
    %dma_wait3A_175 = arith.constant 0 : i32
    %dma_wait3A_176 = tpu.memref_slice %arg4[%mul3A_2, %dma_wait3A_175] : memref<32768x1024xf32, #tpu.memory_space<hbm>> -> memref<8x1024xf32, #tpu.memory_space<hbm>>
    %dma_wait3A_177 = arith.constant 0 : i32
    %dma_wait3A_178 = tpu.memref_slice %arg4[%mul3A_2, %dma_wait3A_177] : memref<32768x1024xf32, #tpu.memory_space<hbm>> -> memref<8x1024xf32, #tpu.memory_space<hbm>>
    %dma_wait3A_179 = arith.constant 0 : i32
    %dma_wait3A_180 = arith.constant 0 : i32
    %dma_wait3A_181 = tpu.memref_slice %arg6[%dma_wait3A_170, %dma_wait3A_179, %dma_wait3A_180] : memref<8x8x1024xf32, #tpu.memory_space<vmem>> -> memref<1x8x1024xf32, #tpu.memory_space<vmem>>
    %dma_wait3A_182 = tpu.memref_squeeze %dma_wait3A_181 : memref<1x8x1024xf32, #tpu.memory_space<vmem>> -> memref<8x1024xf32, #tpu.memory_space<vmem>>
    tpu.wait_dma2 semaphore(%arg19 : memref<!tpu.dma_semaphore, #tpu.memory_space<semaphore_mem>>) src(%dma_wait3A_182 : memref<8x1024xf32, #tpu.memory_space<vmem>>) dst(%dma_wait3A_178 : memref<8x1024xf32, #tpu.memory_space<hbm>>)
    %dma_wait3A_183 = arith.constant 5 : i32
    %dma_wait3A_184 = arith.constant 0 : i32
    %dma_wait3A_185 = arith.constant 0 : i32
    %dma_wait3A_186 = tpu.memref_slice %arg6[%dma_wait3A_183, %dma_wait3A_184, %dma_wait3A_185] : memref<8x8x1024xf32, #tpu.memory_space<vmem>> -> memref<1x8x1024xf32, #tpu.memory_space<vmem>>
    %dma_wait3A_187 = tpu.memref_squeeze %dma_wait3A_186 : memref<1x8x1024xf32, #tpu.memory_space<vmem>> -> memref<8x1024xf32, #tpu.memory_space<vmem>>
    %dma_wait3A_188 = arith.constant 0 : i32
    %dma_wait3A_189 = tpu.memref_slice %arg4[%mul3A_2, %dma_wait3A_188] : memref<32768x1024xf32, #tpu.memory_space<hbm>> -> memref<8x1024xf32, #tpu.memory_space<hbm>>
    %dma_wait3A_190 = arith.constant 0 : i32
    %dma_wait3A_191 = tpu.memref_slice %arg4[%mul3A_2, %dma_wait3A_190] : memref<32768x1024xf32, #tpu.memory_space<hbm>> -> memref<8x1024xf32, #tpu.memory_space<hbm>>
    %dma_wait3A_192 = arith.constant 0 : i32
    %dma_wait3A_193 = arith.constant 0 : i32
    %dma_wait3A_194 = tpu.memref_slice %arg6[%dma_wait3A_183, %dma_wait3A_192, %dma_wait3A_193] : memref<8x8x1024xf32, #tpu.memory_space<vmem>> -> memref<1x8x1024xf32, #tpu.memory_space<vmem>>
    %dma_wait3A_195 = tpu.memref_squeeze %dma_wait3A_194 : memref<1x8x1024xf32, #tpu.memory_space<vmem>> -> memref<8x1024xf32, #tpu.memory_space<vmem>>
    tpu.wait_dma2 semaphore(%arg20 : memref<!tpu.dma_semaphore, #tpu.memory_space<semaphore_mem>>) src(%dma_wait3A_195 : memref<8x1024xf32, #tpu.memory_space<vmem>>) dst(%dma_wait3A_191 : memref<8x1024xf32, #tpu.memory_space<hbm>>)
    %dma_wait3A_196 = arith.constant 6 : i32
    %dma_wait3A_197 = arith.constant 0 : i32
    %dma_wait3A_198 = arith.constant 0 : i32
    %dma_wait3A_199 = tpu.memref_slice %arg6[%dma_wait3A_196, %dma_wait3A_197, %dma_wait3A_198] : memref<8x8x1024xf32, #tpu.memory_space<vmem>> -> memref<1x8x1024xf32, #tpu.memory_space<vmem>>
    %dma_wait3A_200 = tpu.memref_squeeze %dma_wait3A_199 : memref<1x8x1024xf32, #tpu.memory_space<vmem>> -> memref<8x1024xf32, #tpu.memory_space<vmem>>
    %dma_wait3A_201 = arith.constant 0 : i32
    %dma_wait3A_202 = tpu.memref_slice %arg4[%mul3A_2, %dma_wait3A_201] : memref<32768x1024xf32, #tpu.memory_space<hbm>> -> memref<8x1024xf32, #tpu.memory_space<hbm>>
    %dma_wait3A_203 = arith.constant 0 : i32
    %dma_wait3A_204 = tpu.memref_slice %arg4[%mul3A_2, %dma_wait3A_203] : memref<32768x1024xf32, #tpu.memory_space<hbm>> -> memref<8x1024xf32, #tpu.memory_space<hbm>>
    %dma_wait3A_205 = arith.constant 0 : i32
    %dma_wait3A_206 = arith.constant 0 : i32
    %dma_wait3A_207 = tpu.memref_slice %arg6[%dma_wait3A_196, %dma_wait3A_205, %dma_wait3A_206] : memref<8x8x1024xf32, #tpu.memory_space<vmem>> -> memref<1x8x1024xf32, #tpu.memory_space<vmem>>
    %dma_wait3A_208 = tpu.memref_squeeze %dma_wait3A_207 : memref<1x8x1024xf32, #tpu.memory_space<vmem>> -> memref<8x1024xf32, #tpu.memory_space<vmem>>
    tpu.wait_dma2 semaphore(%arg21 : memref<!tpu.dma_semaphore, #tpu.memory_space<semaphore_mem>>) src(%dma_wait3A_208 : memref<8x1024xf32, #tpu.memory_space<vmem>>) dst(%dma_wait3A_204 : memref<8x1024xf32, #tpu.memory_space<hbm>>)
    %dma_wait3A_209 = arith.constant 7 : i32
    %dma_wait3A_210 = arith.constant 0 : i32
    %dma_wait3A_211 = arith.constant 0 : i32
    %dma_wait3A_212 = tpu.memref_slice %arg6[%dma_wait3A_209, %dma_wait3A_210, %dma_wait3A_211] : memref<8x8x1024xf32, #tpu.memory_space<vmem>> -> memref<1x8x1024xf32, #tpu.memory_space<vmem>>
    %dma_wait3A_213 = tpu.memref_squeeze %dma_wait3A_212 : memref<1x8x1024xf32, #tpu.memory_space<vmem>> -> memref<8x1024xf32, #tpu.memory_space<vmem>>
    %dma_wait3A_214 = arith.constant 0 : i32
    %dma_wait3A_215 = tpu.memref_slice %arg4[%mul3A_2, %dma_wait3A_214] : memref<32768x1024xf32, #tpu.memory_space<hbm>> -> memref<8x1024xf32, #tpu.memory_space<hbm>>
    %dma_wait3A_216 = arith.constant 0 : i32
    %dma_wait3A_217 = tpu.memref_slice %arg4[%mul3A_2, %dma_wait3A_216] : memref<32768x1024xf32, #tpu.memory_space<hbm>> -> memref<8x1024xf32, #tpu.memory_space<hbm>>
    %dma_wait3A_218 = arith.constant 0 : i32
    %dma_wait3A_219 = arith.constant 0 : i32
    %dma_wait3A_220 = tpu.memref_slice %arg6[%dma_wait3A_209, %dma_wait3A_218, %dma_wait3A_219] : memref<8x8x1024xf32, #tpu.memory_space<vmem>> -> memref<1x8x1024xf32, #tpu.memory_space<vmem>>
    %dma_wait3A_221 = tpu.memref_squeeze %dma_wait3A_220 : memref<1x8x1024xf32, #tpu.memory_space<vmem>> -> memref<8x1024xf32, #tpu.memory_space<vmem>>
    tpu.wait_dma2 semaphore(%arg22 : memref<!tpu.dma_semaphore, #tpu.memory_space<semaphore_mem>>) src(%dma_wait3A_221 : memref<8x1024xf32, #tpu.memory_space<vmem>>) dst(%dma_wait3A_217 : memref<8x1024xf32, #tpu.memory_space<hbm>>)
    return
  }
}

</mosaic_0001>

<sc_bundles>
// kernel: kernel.3.cloned.1.call-start
scs
__scs_entry_jumppad:
0x0: {  	(pc) =	sbr.rel $0x88, $3  }
0x1: {  	(tag) =	ssettag $0x0;
	lr =	simm.s32 $0x1  }
0x2: {  	[smem:$0x3F9F] =	sst lr;
	_ =	strace $0xD0000000  }
0x3: {  	_ = 	snop  }
0x4: {  	_ = 	snop  }
0x5: {  	_ = 	snop  }
0x6: {  	_ = 	snop  }
0x7: {  	_ = 	snop  }
__scs_overlays_trampoline_lowered:
0x8: {  	[smem:$0x3FAE] =	sst s0  }
0x9: {  	[smem:$0x3FAF] =	sst s1  }
0xa: {  	[smem:$0x3FB0] =	sst s2  }
0xb: {  	[smem:$0x3FB1] =	sst s3  }
0xc: {  	[smem:$0x3FB2] =	sst s4  }
0xd: {  	[smem:$0x3FB3] =	sst s5  }
0xe: {  	[smem:$0x3FB4] =	sst s6  }
0xf: {  	[smem:$0x3FB5] =	sst s7  }
0x10: {  	[smem:$0x3FB6] =	sst s8  }
0x11: {  	[smem:$0x3FB7] =	sst s9;
	s0 =	simm.s32 @!p0 $0x0  }
0x12: {  	s1 =	sld [smem:$0x3F9D];
	s0 =	simm.s32 @p0 $0x1  }
0x13: {  	[smem:$0x3FB8] =	sst s0;
	s0 =	simm.s32 @!p1 $0x0  }
0x14: {  	s2 =	sld [smem:$0x3F9C];
	s0 =	simm.s32 @p1 $0x1  }
0x15: {  	[smem:$0x3FB9] =	sst s0;
	s0 =	simm.s32 @!p2 $0x0  }
0x16: {  	s3 =	sld [smem:$0x3FDB];
	s0 =	simm.s32 @p2 $0x1  }
0x17: {  	s4 =	simm.s32 $0x1BF5;
	[smem:$0x3FBB] =	sst s0  }
0x18: {  	s0 =	sld [smem:$0x3F9E];
	_ =	swait.ge [sflag:s4], $0x0  }
0x19: {  	s7 =	sld [smem:$0x3F9F]  }
0x1a: {  	s8 =	sadd.s32 $0xFFFFE003, lr  }
0x1b: {  	s9 =	sadd.s32 $0xFFFFFEF7, lr;
	s5 =	simm.s32 $0xFFFFFFFF;
	p2 =	slt.u32 s8, $0xFFFFF086  }
0x1c: {  	p1 =	slt.u32 s9, $0xF7A;
	s5 =	simm.s32 @!p2 $0x0  }
0x1d: {  	s5 =	simm.s32 @p1 $0x1;
	p0 =	seq.s32 s7, s2  }
0x1e: {  	s7 =	smul.u32 @!p0 $0xF7A, s2;
	p2 =	seq.s32 @!p0 s5, $0x0  }
0x1f: {  	s9 =	smul.u32 $0xF7A, s1;
	s8 =	simm.s32 @!p0 $0x1BF5;
	p2 =	por !p2, p0  }
0x20: {  	[sflag:s8] =	ssyncset.s32 @!p0 $0xFFFFF086;
	s6 =	sadd.s32 @!p0 s3, s7;
	s7 =	simm.s32 @!p0 $0x108  }
0x21: {  	s3 =	sadd.s32 s3, s9;
	s6 =	sadd.s32 @!p0 $0x88, s6;
	s7 =	simm.s32 @p2 $0x1082  }
0x22: {  	[simem:s7], [sflag:s8] =	dma.local @!p0 [hbm:s6], $0xF7A  }
0x23: {  	s9 =	sor.u32 $0xD0000000, s2;
	s6 =	simm.s32 $0x108;
	_ =	swait.ge @!p0 [sflag:s8], $0x0  }
0x24: {  	s3 =	sadd.s32 $0x88, s3;
	s6 =	simm.s32 @!p1 $0x1082;
	[sflag:s4] =	ssyncset.s32 $0xFFFFF086  }
0x25: {  	[simem:s6], [sflag:s4] =	dma.local [hbm:s3], $0xF7A  }
0x26: {  	[smem:$0x3F9F] =	sst s1;
	(tag) =	ssettag s2;
	_ =	strace s9  }
0x27: {  	s1 =	sld [smem:$0x3FAF]  }
0x28: {  	s2 =	sld [smem:$0x3FB0]  }
0x29: {  	s4 =	sld [smem:$0x3FB2]  }
0x2a: {  	p0 =	seq.s32 s5, $0x0;
	s5 =	sld [smem:$0x3FB3]  }
0x2b: {  	s6 =	sld [smem:$0x3FB4]  }
0x2c: {  	s7 =	sld [smem:$0x3FB5]  }
0x2d: {  	s3 =	simm.s32 $0x108;
	s8 =	sld [smem:$0x3FB6]  }
0x2e: {  	s3 =	simm.s32 @!p0 $0x1082;
	s9 =	sld [smem:$0x3FB7]  }
0x2f: {  	lr =	sadd.s32 s0, s3;
	s0 =	sld [smem:$0x3FAE]  }
0x30: {  	s3 =	sld [smem:$0x3FB1]  }
0x31: {  	[smem:$0x3FBA] =	sst s10  }
0x32: {  	s10 =	sld [smem:$0x3FB8];
	_ =	sdelay $0x3  }
0x33: {  	p0 =	seq.s32 s10, $0x1;
	s10 =	sld [smem:$0x3FBA];
	_ =	sdelay $0x3  }
0x34: {  	[smem:$0x3FBA] =	sst s10  }
0x35: {  	s10 =	sld [smem:$0x3FB9];
	_ =	sdelay $0x3  }
0x36: {  	p1 =	seq.s32 s10, $0x1;
	s10 =	sld [smem:$0x3FBA];
	_ =	sdelay $0x3  }
0x37: {  	[smem:$0x3FBA] =	sst s10  }
0x38: {  	s10 =	sld [smem:$0x3FBB]  }
0x39: {  	_ = 	snop;
	(pc) =	sbr.ind lr, $3  }
0x3a: {  	_ = 	snop  }
0x3b: {  	_ = 	snop  }
0x3c: {  	p2 =	seq.s32 s10, $0x1;
	s10 =	sld [smem:$0x3FBA]  }
0x3d: {  	_ =	shalt  }
0x3e: {  	_ =	shalt  }
0x3f: {  	_ =	shalt  }
0x40: {  	_ =	shalt  }
0x41: {  	_ =	shalt  }
0x42: {  	_ =	shalt  }
0x43: {  	_ =	shalt  }
0x44: {  	_ =	shalt  }
0x45: {  	_ =	shalt  }
0x46: {  	_ =	shalt  }
0x47: {  	_ =	shalt  }
0x48: {  	_ =	shalt  }
0x49: {  	_ =	shalt  }
0x4a: {  	_ =	shalt  }
0x4b: {  	_ =	shalt  }
0x4c: {  	_ =	shalt  }
0x4d: {  	_ =	shalt  }
0x4e: {  	_ =	shalt  }
0x4f: {  	_ =	shalt  }
0x50: {  	_ =	shalt  }
0x51: {  	_ =	shalt  }
0x52: {  	_ =	shalt  }
0x53: {  	_ =	shalt  }
0x54: {  	_ =	shalt  }
0x55: {  	_ =	shalt  }
0x56: {  	_ =	shalt  }
0x57: {  	_ =	shalt  }
0x58: {  	_ =	shalt  }
0x59: {  	_ =	shalt  }
0x5a: {  	_ =	shalt  }
0x5b: {  	_ =	shalt  }
0x5c: {  	_ =	shalt  }
0x5d: {  	_ =	shalt  }
0x5e: {  	_ =	shalt  }
0x5f: {  	_ =	shalt  }
0x60: {  	_ =	shalt  }
0x61: {  	_ =	shalt  }
0x62: {  	_ =	shalt  }
0x63: {  	_ =	shalt  }
0x64: {  	_ =	shalt  }
0x65: {  	_ =	shalt  }
0x66: {  	_ =	shalt  }
0x67: {  	_ =	shalt  }
0x68: {  	_ =	shalt  }
0x69: {  	_ =	shalt  }
0x6a: {  	_ =	shalt  }
0x6b: {  	_ =	shalt  }
0x6c: {  	_ =	shalt  }
0x6d: {  	_ =	shalt  }
0x6e: {  	_ =	shalt  }
0x6f: {  	_ =	shalt  }
0x70: {  	_ =	shalt  }
0x71: {  	_ =	shalt  }
0x72: {  	_ =	shalt  }
0x73: {  	_ =	shalt  }
0x74: {  	_ =	shalt  }
0x75: {  	_ =	shalt  }
0x76: {  	_ =	shalt  }
0x77: {  	_ =	shalt  }
0x78: {  	_ =	shalt  }
0x79: {  	_ =	shalt  }
0x7a: {  	_ =	shalt  }
0x7b: {  	_ =	shalt  }
0x7c: {  	_ =	shalt  }
0x7d: {  	_ =	shalt  }
0x7e: {  	_ =	shalt  }
0x7f: {  	_ =	shalt  }
0x80: {  	_ =	shalt  }
0x81: {  	_ =	shalt  }
0x82: {  	_ =	shalt  }
0x83: {  	_ =	shalt  }
0x84: {  	_ =	shalt  }
0x85: {  	_ =	shalt  }
0x86: {  	_ =	shalt  }
0x87: {  	_ =	shalt  }
.Lfunc_end0:
.L_simem_size_0:
called_computation_lowered:
.L_overlay_start_0:
0x88: {  	s2 =	sld [smem:$0x3FD9]  }
0x89: {  	s3 =	sld [smem:$0x3FFE];
	_ =	sdelay $0x1  }
0x8a: {  	s1 =	srdreg.scid  }
0x8b: {  	s0 =	sand.u32 $0x1, s1  }
0x8c: {  	s17 =	sshll.u32 s0, $0xA;
	s2 =	sadd.s32 s3, s2  }
0x8d: {  	s2 =	sadd.s32 s2, s17  }
0x8e: {  	[smem:$0x3FC6] =	sst s2  }
0x8f: {  	_ = 	snop  }
0x90: {  	s2 =	sld [smem:$0x3FC8]  }
0x91: {  	s18 =	sld [smem:$0x3FD0];
	(tm) =	ssettm $0x1  }
0x92: {  	s4 =	sld [smem:$0x3FFB];
	_ =	sdelay $0x3  }
0x93: {  	_ =	strace s4  }
0x94: {  	s4 =	sld [smem:$0x3FFC];
	_ =	sdelay $0x3  }
0x95: {  	_ =	strace s4  }
0x96: {  	s4 =	sld [smem:$0x3FFD];
	_ =	sdelay $0x3  }
0x97: {  	_ =	strace s4  }
0x98: {  	_ =	strace $0x8FFFFFFF  }
0x99: {  	s19 =	sld [smem:$0x3FDB];
	_ =	sdelay $0x1  }
0x9a: {  	s5 =	simm.s32 $_scs_section_size  }
0x9b: {  	s6 =	simm.s32 $_size__tile_overlayer_lowered;
	s7 =	simm.s32 $_tile_overlayer_lowered  }
0x9c: {  	s22 =	simm.s32 $0x1BFF;
	s21 =	sshll.u32 s7, $0x1;
	s4 =	sadd.s32 s5, s19  }
0x9d: {  	s8 =	simm.s32 $0x0;
	s20 =	sshll.u32 s6, $0x1;
	s6 =	sadd.s32 s21, s4  }
0x9e: {  	[timem:s8], [sflag:s22] =	dma.local [hbm:s6], s20  }
0x9f: {  	_ =	swait.ge [sflag:s22], s20  }
0xa0: {  	s5 =	ssub.s32 $0x0, s20;
	[sflag:s22] =	ssyncset.done $0x0  }
0xa1: {  	[sflag:s22] =	ssyncadd.s32 s5;
	_ =	sdelay $0x1  }
0xa2: {  	s23 =	simm.s32 $0x1B8B  }
0xa3: {  	_ =	swait.ge [sflag:s23], $0x1  }
0xa4: {  	[sflag:s23] =	ssyncset.done $0x0  }
0xa5: {  	s25 =	simm.s32 $0x1B8E;
	s24 =	sld [smem:$0x3FFE];
	[sflag:s23] =	ssyncadd.s32 $0xFFFFFFFF  }
0xa6: {  	s26 =	simm.s32 $execute0_lowered;
	[smem:$0x3FD2] =	sst s25  }
0xa7: {  	s6 =	sshll.u32 s26, $0x1;
	_ =	strace $0x80000046;
	[dreg:$0x1] =	wrdreg $0xFFFFFFFF  }
0xa8: {  	s28 =	simm.s32 $_size_execute0_lowered;
	s4 =	sadd.s32 s4, s6;
	[dreg:$0x0] =	wrdreg $0x0  }
0xa9: {  	s6 =	sshll.u32 s28, $0x1;
	[dreg:$0x2] =	wrdreg s4  }
0xaa: {  	[dreg:$0x3] =	wrdreg s6  }
0xab: {  	[dreg:$0x4] =	wrdreg $0xC0  }
0xac: {  	_ =	task [dreg:s8], $0x5FFFF  }
0xad: {  	[dreg:$0x1] =	wrdreg $0xFFFFFFFF  }
0xae: {  	[dreg:$0x0] =	wrdreg $0x60  }
0xaf: {  	[dreg:$0x2] =	wrdreg s2  }
0xb0: {  	[dreg:$0x3] =	wrdreg s24  }
0xb1: {  	[dreg:$0x4] =	wrdreg s18  }
0xb2: {  	[dreg:$0x5] =	wrdreg $0x9  }
0xb3: {  	_ =	task.clear_ibuf [dreg:s8], $0x6FFFF;
	_ =	strace $0x90000046  }
0xb4: {  	s29 =	simm.s32 $0x9;
	_ =	strace $0x80000048  }
0xb5: {  	_ =	swait.ge [sflag:s29], $0x1  }
0xb6: {  	[sflag:s29] =	ssyncadd.s32 $0xFFFFFFFF  }
0xb7: {  	_ =	strace $0x90000048  }
0xb8: {  	_ =	sfence  }
0xb9: {  	s30 =	sld [smem:$0x0];
	_ =	sdelay $0x2  }
0xba: {  	s31 =	sshll.u32 s1, $0xD;
	s1 =	sshrl.u32 s1, $0x2  }
0xbb: {  	s3 =	sand.u32 $0x4000, s31;
	s1 =	sadd.s32 s1, s30  }
0xbc: {  	s0 =	sor.u32 s3, s0;
	s1 =	sshll.u32 s1, $0x11  }
0xbd: {  	s0 =	sor.u32 s1, s0  }
0xbe: {  	s0 =	sadd.s32 $0x8F2B, s0  }
0xbf: {  	[sflag:s0] =	ssyncadd.remote.s32 $0x1  }
0xc0: {  	_ =	sfence.sel $0xFFFF  }
0xc1: {  	[dreg:$0x0] =	wrdreg $0xFFFFFFFF;
	(pc) =	sbr.abs _section_cstart, $3  }
0xc2: {  	[dreg:$0x1] =	wrdreg $0xFFFFFFFF  }
0xc3: {  	_ =	task.clear_ibuf [dreg:s8], $0x2FFFF;
	_ =	strace $0x9FFFFFFF  }
0xc4: {  	(tm) =	ssettm $0x7FFFFFFF  }
0xc5: {  	_ =	shalt  }
tec
execute0_lowered:
.L_overlay_start_1:
0x0: {  	(tag) =	ssettag $0x1  }
0x1: {  	s2 =	rddreg [dreg:$0x0]  }
0x2: {  	s0 =	rddreg [dreg:$0x1]  }
0x3: {  	s1 =	srdreg.scid;
	s4 =	rddreg [dreg:$0x2]  }
0x4: {  	s7 =	stileid.u32;
	s3 =	simm.s32 $0x0;
	s10 =	simm.s32 $0x1  }
0x5: {  	s11 =	simm.s32 $0x4000;
	s15 =	simm.s32 $0x6000;
	s19 =	simm.s32 $0x8000  }
0x6: {  	s28 =	simm.s32 $0xC000;
	s14 =	simm.s32 $0x10000;
	s20 =	simm.s32 $0x12000  }
0x7: {  	s21 =	simm.s32 $0x12800;
	s22 =	simm.s32 $0x13000;
	s29 =	simm.s32 $0x4  }
0x8: {  	s30 =	simm.s32 $0x5;
	s31 =	simm.s32 $0x6;
	s12 =	simm.s32 $0x8  }
0x9: {  	s16 =	simm.s32 $0x10;
	s1 =	sand.u32 $0x1, s1;
	s5 =	sshll.u32 s7, $0xC  }
0xa: {  	[smem:$0x7FF] =	sst s3;
	s25 =	sshll.u32 s7, $0x12;
	s7 =	sadd.s32 $0x300, s2  }
0xb: {  	s6 =	sshll.u32 s1, $0xB;
	s23 =	ssub.s32 $0x2, s1;
	_ =	strace $0x80000047  }
0xc: {  	s1 =	sshll.u32 s1, $0x11;
	s5 =	sor.u32 s6, s5;
	s24 =	sshrl.u32 s23, $0x1  }
0xd: {  	s6 =	sadd.s32 $0x200, s2;
	s0 =	sadd.s32 s5, s0;
	s8 =	ssub.s32 s23, s24  }
.Ltmp0:
0xe: {  	s5 =	sadd.s32 $0x100, s2;
	s23 =	simm.s32 $0xA000;
	(pc) =	sbr.rel .LBB2_1-.Ltmp0, $4  }
0xf: {  	s24 =	simm.s32 $0x13800;
	s0 =	sadd.s32 $0x400, s0;
	s26 =	smax.u32 s8, $0x1  }
0x10: {  	v0 =	vlaneseq.u32;
	s8 =	simm.s32 $0x0;
	[dreg:$0x4] =	wrdreg s0;
	s0 =	sadd.s32 s25, s4  }
0x11: {  	v1 =	vshrl.u32 v0, $0x3;
	[dreg:$0x5] =	wrdreg s26;
	s25 =	simm.s32 $0x2;
	s26 =	simm.s32 $0x3  }
0x12: {  	vm0 =	vmmov $0xffff;
	v0 =	vand.u32 $0x7, v0;
	v1 =	vmul.u32 $0x8, v1;
	s9 =	sadd.s32 s1, s0;
	s0 =	simm.s32 $0xE000;
	s1 =	simm.s32 $0x7  }
.LBB2_4:
0x13: {  	s4 =	simm.s32 $0x9  }
0x14: {  	_ =	swait.ge [sflag:s4], $0x2000  }
0x15: {  	[sflag:s4] =	ssyncset.done $0x0  }
0x16: {  	s13 =	simm.s32 $0xA;
	[sflag:s4] =	ssyncadd.s32 $0xFFFFE000  }
0x17: {  	_ =	swait.ge [sflag:s13], $0x2000  }
0x18: {  	[sflag:s13] =	ssyncset.done $0x0  }
0x19: {  	s17 =	simm.s32 $0xB;
	[sflag:s13] =	ssyncadd.s32 $0xFFFFE000  }
0x1a: {  	_ =	swait.ge [sflag:s17], $0x2000  }
0x1b: {  	[sflag:s17] =	ssyncset.done $0x0  }
0x1c: {  	s18 =	simm.s32 $0xC;
	[sflag:s17] =	ssyncadd.s32 $0xFFFFE000  }
0x1d: {  	_ =	swait.ge [sflag:s18], $0x2000  }
0x1e: {  	[sflag:s18] =	ssyncset.done $0x0  }
0x1f: {  	s8 =	simm.s32 $0xD;
	[sflag:s18] =	ssyncadd.s32 $0xFFFFE000  }
0x20: {  	_ =	swait.ge [sflag:s8], $0x2000  }
0x21: {  	[sflag:s8] =	ssyncset.done $0x0  }
0x22: {  	s13 =	simm.s32 $0xE;
	[sflag:s8] =	ssyncadd.s32 $0xFFFFE000  }
0x23: {  	_ =	swait.ge [sflag:s13], $0x2000  }
0x24: {  	[sflag:s13] =	ssyncset.done $0x0  }
0x25: {  	s17 =	simm.s32 $0xF;
	[sflag:s13] =	ssyncadd.s32 $0xFFFFE000  }
0x26: {  	_ =	swait.ge [sflag:s17], $0x2000  }
0x27: {  	[sflag:s17] =	ssyncset.done $0x0  }
0x28: {  	[sflag:s17] =	ssyncadd.s32 $0xFFFFE000  }
0x29: {  	_ =	swait.ge [sflag:s16], $0x2000  }
0x2a: {  	s8 =	rddreg [dreg:$0x6]  }
0x2b: {  	s18 =	rddreg [dreg:$0x5];
	s8 =	sadd.s32 $0x1, s8  }
0x2c: {  	p0 =	sne.s32 s8, s18  }
.Ltmp1:
0x2d: {  	_ = 	snop;
	(pc) =	sbr.rel @!p0 .LBB2_5-.Ltmp1, $3  }
0x2e: {  	_ =	sdelay $0x1  }
0x2f: {  	[sflag:s16] =	ssyncset.done $0x0  }
0x30: {  	[sflag:s16] =	ssyncadd.s32 $0xFFFFE000  }
.LBB2_1:
0x31: {  	[dreg:$0x6] =	wrdreg s8  }
0x32: {  	s4 =	rddreg [dreg:$0x4]  }
0x33: {  	[tilespmem:s3], [sflag:$0x1] =	stream.linear.gather [hbm4b:s4+s3], $0x4000, $0x38;
	[tilespmem:$0x14000] =	vst v63  }
0x34: {  	_ =	swait.ge [sflag:s10], $0x4000  }
0x35: {  	[sflag:s10] =	ssyncset.done $0x0  }
0x36: {  	[sflag:s10] =	ssyncadd.s32 $0xFFFFC000  }
0x37: {  	v2 =	vld.msk [tilespmem:$0x0], $0xff;
	_ =	sdelay $0x4  }
0x38: {  	v3 =	vshll.u32 v2, $0x3  }
0x39: {  	v2 =	vand.u32 $0x7, v2;
	v3 =	vand.u32 $0xFFFFFFC0, v3  }
0x3a: {  	v2 =	vor.u32 v2, v3  }
0x3b: {  	v2 =	vperm.xlane v2, v0;
	_ =	sdelay $0x1  }
0x3c: {  	v2 =	vadd.s32 v1, v2;
	_ =	sdelay $0x4  }
0x3d: {  	[tilespmem:s11], [sflag:$0x1] =	stream.indirect_vreg.gather [hbm4b:s2+s3], $0x80, v2, vm0, $0xb8;
	[tilespmem:$0x14000] =	vst v63  }
0x3e: {  	s18 =	simm.s32 $0x4800  }
0x3f: {  	[tilespmem:s18], [sflag:$0x1] =	stream.indirect_vreg.gather [hbm4b:s5+s3], $0x80, v2, vm0, $0xb8;
	[tilespmem:$0x14000] =	vst v63  }
0x40: {  	s8 =	simm.s32 $0x5000  }
0x41: {  	[tilespmem:s8], [sflag:$0x1] =	stream.indirect_vreg.gather [hbm4b:s6+s3], $0x80, v2, vm0, $0xb8;
	[tilespmem:$0x14000] =	vst v63  }
0x42: {  	s13 =	simm.s32 $0x5800  }
0x43: {  	[tilespmem:s13], [sflag:$0x1] =	stream.indirect_vreg.gather [hbm4b:s7+s3], $0x80, v2, vm0, $0xb8;
	[tilespmem:$0x14000] =	vst v63  }
0x44: {  	v2 =	vld.msk [tilespmem:$0x80], $0xff;
	_ =	sdelay $0x4  }
0x45: {  	v3 =	vshll.u32 v2, $0x3  }
0x46: {  	v2 =	vand.u32 $0x7, v2;
	v3 =	vand.u32 $0xFFFFFFC0, v3  }
0x47: {  	v2 =	vor.u32 v2, v3  }
0x48: {  	v2 =	vperm.xlane v2, v0;
	_ =	sdelay $0x1  }
0x49: {  	v2 =	vadd.s32 v1, v2;
	_ =	sdelay $0x4  }
0x4a: {  	[tilespmem:s15], [sflag:$0x2] =	stream.indirect_vreg.gather [hbm4b:s2+s3], $0x80, v2, vm0, $0xb8;
	[tilespmem:$0x14000] =	vst v63  }
0x4b: {  	s17 =	simm.s32 $0x6800  }
0x4c: {  	[tilespmem:s17], [sflag:$0x2] =	stream.indirect_vreg.gather [hbm4b:s5+s3], $0x80, v2, vm0, $0xb8;
	[tilespmem:$0x14000] =	vst v63  }
0x4d: {  	s18 =	simm.s32 $0x7000  }
0x4e: {  	[tilespmem:s18], [sflag:$0x2] =	stream.indirect_vreg.gather [hbm4b:s6+s3], $0x80, v2, vm0, $0xb8;
	[tilespmem:$0x14000] =	vst v63  }
0x4f: {  	s8 =	simm.s32 $0x7800  }
0x50: {  	[tilespmem:s8], [sflag:$0x2] =	stream.indirect_vreg.gather [hbm4b:s7+s3], $0x80, v2, vm0, $0xb8;
	[tilespmem:$0x14000] =	vst v63  }
0x51: {  	v2 =	vld.msk [tilespmem:$0x100], $0xff;
	_ =	sdelay $0x4  }
0x52: {  	v3 =	vshll.u32 v2, $0x3  }
0x53: {  	v2 =	vand.u32 $0x7, v2;
	v3 =	vand.u32 $0xFFFFFFC0, v3  }
0x54: {  	v2 =	vor.u32 v2, v3  }
0x55: {  	v2 =	vperm.xlane v2, v0;
	_ =	sdelay $0x1  }
0x56: {  	v2 =	vadd.s32 v1, v2;
	_ =	sdelay $0x4  }
0x57: {  	[tilespmem:s19], [sflag:$0x3] =	stream.indirect_vreg.gather [hbm4b:s2+s3], $0x80, v2, vm0, $0xb8;
	[tilespmem:$0x14000] =	vst v63  }
0x58: {  	s13 =	simm.s32 $0x8800  }
0x59: {  	[tilespmem:s13], [sflag:$0x3] =	stream.indirect_vreg.gather [hbm4b:s5+s3], $0x80, v2, vm0, $0xb8;
	[tilespmem:$0x14000] =	vst v63  }
0x5a: {  	s17 =	simm.s32 $0x9000  }
0x5b: {  	[tilespmem:s17], [sflag:$0x3] =	stream.indirect_vreg.gather [hbm4b:s6+s3], $0x80, v2, vm0, $0xb8;
	[tilespmem:$0x14000] =	vst v63  }
0x5c: {  	s18 =	simm.s32 $0x9800  }
0x5d: {  	[tilespmem:s18], [sflag:$0x3] =	stream.indirect_vreg.gather [hbm4b:s7+s3], $0x80, v2, vm0, $0xb8;
	[tilespmem:$0x14000] =	vst v63  }
0x5e: {  	v2 =	vld.msk [tilespmem:$0x180], $0xff;
	_ =	sdelay $0x4  }
0x5f: {  	v3 =	vshll.u32 v2, $0x3  }
0x60: {  	v2 =	vand.u32 $0x7, v2;
	v3 =	vand.u32 $0xFFFFFFC0, v3  }
0x61: {  	v2 =	vor.u32 v2, v3  }
0x62: {  	v2 =	vperm.xlane v2, v0;
	_ =	sdelay $0x1  }
0x63: {  	v2 =	vadd.s32 v1, v2;
	_ =	sdelay $0x4  }
0x64: {  	[tilespmem:s23], [sflag:$0x4] =	stream.indirect_vreg.gather [hbm4b:s2+s3], $0x80, v2, vm0, $0xb8;
	[tilespmem:$0x14000] =	vst v63  }
0x65: {  	s8 =	simm.s32 $0xA800  }
0x66: {  	[tilespmem:s8], [sflag:$0x4] =	stream.indirect_vreg.gather [hbm4b:s5+s3], $0x80, v2, vm0, $0xb8;
	[tilespmem:$0x14000] =	vst v63  }
0x67: {  	s13 =	simm.s32 $0xB000  }
0x68: {  	[tilespmem:s13], [sflag:$0x4] =	stream.indirect_vreg.gather [hbm4b:s6+s3], $0x80, v2, vm0, $0xb8;
	[tilespmem:$0x14000] =	vst v63  }
0x69: {  	s17 =	simm.s32 $0xB800  }
0x6a: {  	[tilespmem:s17], [sflag:$0x4] =	stream.indirect_vreg.gather [hbm4b:s7+s3], $0x80, v2, vm0, $0xb8;
	[tilespmem:$0x14000] =	vst v63  }
0x6b: {  	v2 =	vld.msk [tilespmem:$0x200], $0xff;
	_ =	sdelay $0x4  }
0x6c: {  	v3 =	vshll.u32 v2, $0x3  }
0x6d: {  	v2 =	vand.u32 $0x7, v2;
	v3 =	vand.u32 $0xFFFFFFC0, v3  }
0x6e: {  	v2 =	vor.u32 v2, v3  }
0x6f: {  	v2 =	vperm.xlane v2, v0;
	_ =	sdelay $0x1  }
0x70: {  	v2 =	vadd.s32 v1, v2;
	_ =	sdelay $0x4  }
0x71: {  	[tilespmem:s28], [sflag:$0x5] =	stream.indirect_vreg.gather [hbm4b:s2+s3], $0x80, v2, vm0, $0xb8;
	[tilespmem:$0x14000] =	vst v63  }
0x72: {  	s18 =	simm.s32 $0xC800  }
0x73: {  	[tilespmem:s18], [sflag:$0x5] =	stream.indirect_vreg.gather [hbm4b:s5+s3], $0x80, v2, vm0, $0xb8;
	[tilespmem:$0x14000] =	vst v63  }
0x74: {  	s8 =	simm.s32 $0xD000  }
0x75: {  	[tilespmem:s8], [sflag:$0x5] =	stream.indirect_vreg.gather [hbm4b:s6+s3], $0x80, v2, vm0, $0xb8;
	[tilespmem:$0x14000] =	vst v63  }
0x76: {  	s13 =	simm.s32 $0xD800  }
0x77: {  	[tilespmem:s13], [sflag:$0x5] =	stream.indirect_vreg.gather [hbm4b:s7+s3], $0x80, v2, vm0, $0xb8;
	[tilespmem:$0x14000] =	vst v63  }
0x78: {  	v2 =	vld.msk [tilespmem:$0x280], $0xff;
	_ =	sdelay $0x4  }
0x79: {  	v3 =	vshll.u32 v2, $0x3  }
0x7a: {  	v2 =	vand.u32 $0x7, v2;
	v3 =	vand.u32 $0xFFFFFFC0, v3  }
0x7b: {  	v2 =	vor.u32 v2, v3  }
0x7c: {  	v2 =	vperm.xlane v2, v0;
	_ =	sdelay $0x1  }
0x7d: {  	v2 =	vadd.s32 v1, v2;
	_ =	sdelay $0x4  }
0x7e: {  	[tilespmem:s0], [sflag:$0x6] =	stream.indirect_vreg.gather [hbm4b:s2+s3], $0x80, v2, vm0, $0xb8;
	[tilespmem:$0x14000] =	vst v63  }
0x7f: {  	s17 =	simm.s32 $0xE800  }
0x80: {  	[tilespmem:s17], [sflag:$0x6] =	stream.indirect_vreg.gather [hbm4b:s5+s3], $0x80, v2, vm0, $0xb8;
	[tilespmem:$0x14000] =	vst v63  }
0x81: {  	s18 =	simm.s32 $0xF000  }
0x82: {  	[tilespmem:s18], [sflag:$0x6] =	stream.indirect_vreg.gather [hbm4b:s6+s3], $0x80, v2, vm0, $0xb8;
	[tilespmem:$0x14000] =	vst v63  }
0x83: {  	s8 =	simm.s32 $0xF800  }
0x84: {  	[tilespmem:s8], [sflag:$0x6] =	stream.indirect_vreg.gather [hbm4b:s7+s3], $0x80, v2, vm0, $0xb8;
	[tilespmem:$0x14000] =	vst v63  }
0x85: {  	v2 =	vld.msk [tilespmem:$0x300], $0xff;
	_ =	sdelay $0x4  }
0x86: {  	v3 =	vshll.u32 v2, $0x3  }
0x87: {  	v2 =	vand.u32 $0x7, v2;
	v3 =	vand.u32 $0xFFFFFFC0, v3  }
0x88: {  	v2 =	vor.u32 v2, v3  }
0x89: {  	v2 =	vperm.xlane v2, v0;
	_ =	sdelay $0x1  }
0x8a: {  	v2 =	vadd.s32 v1, v2;
	_ =	sdelay $0x4  }
0x8b: {  	[tilespmem:s14], [sflag:$0x7] =	stream.indirect_vreg.gather [hbm4b:s2+s3], $0x80, v2, vm0, $0xb8;
	[tilespmem:$0x14000] =	vst v63  }
0x8c: {  	s13 =	simm.s32 $0x10800  }
0x8d: {  	[tilespmem:s13], [sflag:$0x7] =	stream.indirect_vreg.gather [hbm4b:s5+s3], $0x80, v2, vm0, $0xb8;
	[tilespmem:$0x14000] =	vst v63  }
0x8e: {  	s17 =	simm.s32 $0x11000  }
0x8f: {  	[tilespmem:s17], [sflag:$0x7] =	stream.indirect_vreg.gather [hbm4b:s6+s3], $0x80, v2, vm0, $0xb8;
	[tilespmem:$0x14000] =	vst v63  }
0x90: {  	s18 =	simm.s32 $0x11800  }
0x91: {  	[tilespmem:s18], [sflag:$0x7] =	stream.indirect_vreg.gather [hbm4b:s7+s3], $0x80, v2, vm0, $0xb8;
	[tilespmem:$0x14000] =	vst v63  }
0x92: {  	v2 =	vld.msk [tilespmem:$0x380], $0xff;
	_ =	sdelay $0x4  }
0x93: {  	v3 =	vshll.u32 v2, $0x3  }
0x94: {  	v2 =	vand.u32 $0x7, v2;
	v3 =	vand.u32 $0xFFFFFFC0, v3  }
0x95: {  	v2 =	vor.u32 v2, v3  }
0x96: {  	v2 =	vperm.xlane v2, v0;
	_ =	sdelay $0x1  }
0x97: {  	v2 =	vadd.s32 v1, v2;
	_ =	sdelay $0x4  }
0x98: {  	[tilespmem:s20], [sflag:$0x8] =	stream.indirect_vreg.gather [hbm4b:s2+s3], $0x80, v2, vm0, $0xb8;
	[tilespmem:$0x14000] =	vst v63  }
0x99: {  	_ = 	snop  }
0x9a: {  	[tilespmem:s21], [sflag:$0x8] =	stream.indirect_vreg.gather [hbm4b:s5+s3], $0x80, v2, vm0, $0xb8;
	[tilespmem:$0x14000] =	vst v63  }
0x9b: {  	_ = 	snop  }
0x9c: {  	[tilespmem:s22], [sflag:$0x8] =	stream.indirect_vreg.gather [hbm4b:s6+s3], $0x80, v2, vm0, $0xb8;
	[tilespmem:$0x14000] =	vst v63  }
0x9d: {  	s4 =	simm.s32 $0x0;
	s18 =	simm.s32 $0x780  }
0x9e: {  	[tilespmem:s24], [sflag:$0x8] =	stream.indirect_vreg.gather [hbm4b:s7+s3], $0x80, v2, vm0, $0xb8;
	[tilespmem:$0x14000] =	vst v63  }
.LBB2_2:
0x9f: {  	_ =	swait.ge [sflag:s10], $0x2000  }
0xa0: {  	p0 =	seq.s32 s4, $0x1E000;
	[sflag:s10] =	ssyncset.done $0x0  }
0xa1: {  	s8 =	sadd.s32 s4, s9;
	s13 =	simm.s32 @!p0 $0x9;
	[sflag:s10] =	ssyncadd.s32 $0xFFFFE000  }
0xa2: {  	[hbm4b:s8+s3] =	stream.linear.scatter [tilespmem:s11], [sflag:$0x9], $0x2000, $0x38;
	[tilespmem:$0x14000] =	vst v63  }
0xa3: {  	_ =	swait.ge @!p0 [sflag:s13], $0x2000  }
0xa4: {  	[sflag:s13] =	ssyncset.done @!p0 $0x0  }
0xa5: {  	[sflag:s13] =	ssyncadd.s32 @!p0 $0xFFFFE000  }
0xa6: {  	v2 =	vld.msk @!p0 [tilespmem:s18+$0xFFFFFC80], $0xff;
	_ =	sdelay $0x4  }
0xa7: {  	v3 =	vshll.u32 @!p0 v2, $0x3  }
0xa8: {  	v4 =	vlaneseq.u32 @!p0;
	v2 =	vand.u32 @!p0 $0x7, v2;
	v3 =	vand.u32 @!p0 $0xFFFFFFC0, v3  }
0xa9: {  	v3 =	vor.u32 @!p0 v2, v3;
	v2 =	vand.u32 @!p0 $0x7, v4;
	v4 =	vshrl.u32 @!p0 v4, $0x3  }
0xaa: {  	v5 =	vperm.xlane @!p0 v3, v2;
	v3 =	vmul.u32 @!p0 $0x8, v4;
	_ =	sdelay $0x1  }
0xab: {  	v4 =	vadd.s32 @!p0 v3, v5;
	_ =	sdelay $0x3  }
0xac: {  	vm1 =	vmmov @!p0 $0xffff;
	s17 =	simm.s32 @!p0 $0x4000;
	s13 =	simm.s32 @!p0 $0x0  }
0xad: {  	[tilespmem:s17], [sflag:$0x1] =	stream.indirect_vreg.gather @!p0 [hbm4b:s2+s13], $0x80, v4, vm1, $0xb8;
	[tilespmem:$0x14000] =	vst v63  }
0xae: {  	s17 =	simm.s32 @!p0 $0x4800  }
0xaf: {  	[tilespmem:s17], [sflag:$0x1] =	stream.indirect_vreg.gather @!p0 [hbm4b:s5+s13], $0x80, v4, vm1, $0xb8;
	[tilespmem:$0x14000] =	vst v63  }
0xb0: {  	s17 =	simm.s32 @!p0 $0x5000  }
0xb1: {  	[tilespmem:s17], [sflag:$0x1] =	stream.indirect_vreg.gather @!p0 [hbm4b:s6+s13], $0x80, v4, vm1, $0xb8;
	[tilespmem:$0x14000] =	vst v63  }
0xb2: {  	s17 =	simm.s32 @!p0 $0x5800  }
0xb3: {  	[tilespmem:s17], [sflag:$0x1] =	stream.indirect_vreg.gather @!p0 [hbm4b:s7+s13], $0x80, v4, vm1, $0xb8;
	[tilespmem:$0x14000] =	vst v63  }
0xb4: {  	_ =	swait.ge [sflag:s25], $0x2000  }
0xb5: {  	[sflag:s25] =	ssyncset.done $0x0  }
0xb6: {  	s17 =	sadd.s32 $0x400, s8;
	[sflag:s25] =	ssyncadd.s32 $0xFFFFE000  }
0xb7: {  	[hbm4b:s17+s3] =	stream.linear.scatter [tilespmem:s15], [sflag:$0xA], $0x2000, $0x38;
	[tilespmem:$0x14000] =	vst v63  }
0xb8: {  	s17 =	simm.s32 @!p0 $0xA  }
0xb9: {  	_ =	swait.ge @!p0 [sflag:s17], $0x2000  }
0xba: {  	[sflag:s17] =	ssyncset.done @!p0 $0x0  }
0xbb: {  	[sflag:s17] =	ssyncadd.s32 @!p0 $0xFFFFE000  }
0xbc: {  	v4 =	vld.msk @!p0 [tilespmem:s18+$0xFFFFFD00], $0xff;
	_ =	sdelay $0x4  }
0xbd: {  	v5 =	vshll.u32 @!p0 v4, $0x3  }
0xbe: {  	v4 =	vand.u32 @!p0 $0x7, v4;
	v5 =	vand.u32 @!p0 $0xFFFFFFC0, v5  }
0xbf: {  	v4 =	vor.u32 @!p0 v4, v5  }
0xc0: {  	v4 =	vperm.xlane @!p0 v4, v2;
	_ =	sdelay $0x1  }
0xc1: {  	v4 =	vadd.s32 @!p0 v3, v4;
	_ =	sdelay $0x3  }
0xc2: {  	s17 =	simm.s32 @!p0 $0x6000  }
0xc3: {  	[tilespmem:s17], [sflag:$0x2] =	stream.indirect_vreg.gather @!p0 [hbm4b:s2+s13], $0x80, v4, vm1, $0xb8;
	[tilespmem:$0x14000] =	vst v63  }
0xc4: {  	s17 =	simm.s32 @!p0 $0x6800  }
0xc5: {  	[tilespmem:s17], [sflag:$0x2] =	stream.indirect_vreg.gather @!p0 [hbm4b:s5+s13], $0x80, v4, vm1, $0xb8;
	[tilespmem:$0x14000] =	vst v63  }
0xc6: {  	s17 =	simm.s32 @!p0 $0x7000  }
0xc7: {  	[tilespmem:s17], [sflag:$0x2] =	stream.indirect_vreg.gather @!p0 [hbm4b:s6+s13], $0x80, v4, vm1, $0xb8;
	[tilespmem:$0x14000] =	vst v63  }
0xc8: {  	s17 =	simm.s32 @!p0 $0x7800  }
0xc9: {  	[tilespmem:s17], [sflag:$0x2] =	stream.indirect_vreg.gather @!p0 [hbm4b:s7+s13], $0x80, v4, vm1, $0xb8;
	[tilespmem:$0x14000] =	vst v63  }
0xca: {  	_ =	swait.ge [sflag:s26], $0x2000  }
0xcb: {  	[sflag:s26] =	ssyncset.done $0x0  }
0xcc: {  	s17 =	sadd.s32 $0x800, s8;
	[sflag:s26] =	ssyncadd.s32 $0xFFFFE000  }
0xcd: {  	[hbm4b:s17+s3] =	stream.linear.scatter [tilespmem:s19], [sflag:$0xB], $0x2000, $0x38;
	[tilespmem:$0x14000] =	vst v63  }
0xce: {  	s17 =	simm.s32 @!p0 $0xB  }
0xcf: {  	_ =	swait.ge @!p0 [sflag:s17], $0x2000  }
0xd0: {  	[sflag:s17] =	ssyncset.done @!p0 $0x0  }
0xd1: {  	[sflag:s17] =	ssyncadd.s32 @!p0 $0xFFFFE000  }
0xd2: {  	v4 =	vld.msk @!p0 [tilespmem:s18+$0xFFFFFD80], $0xff;
	_ =	sdelay $0x4  }
0xd3: {  	v5 =	vshll.u32 @!p0 v4, $0x3  }
0xd4: {  	v4 =	vand.u32 @!p0 $0x7, v4;
	v5 =	vand.u32 @!p0 $0xFFFFFFC0, v5  }
0xd5: {  	v4 =	vor.u32 @!p0 v4, v5  }
0xd6: {  	v4 =	vperm.xlane @!p0 v4, v2;
	_ =	sdelay $0x1  }
0xd7: {  	v4 =	vadd.s32 @!p0 v3, v4;
	_ =	sdelay $0x3  }
0xd8: {  	s17 =	simm.s32 @!p0 $0x8000  }
0xd9: {  	[tilespmem:s17], [sflag:$0x3] =	stream.indirect_vreg.gather @!p0 [hbm4b:s2+s13], $0x80, v4, vm1, $0xb8;
	[tilespmem:$0x14000] =	vst v63  }
0xda: {  	s17 =	simm.s32 @!p0 $0x8800  }
0xdb: {  	[tilespmem:s17], [sflag:$0x3] =	stream.indirect_vreg.gather @!p0 [hbm4b:s5+s13], $0x80, v4, vm1, $0xb8;
	[tilespmem:$0x14000] =	vst v63  }
0xdc: {  	s17 =	simm.s32 @!p0 $0x9000  }
0xdd: {  	[tilespmem:s17], [sflag:$0x3] =	stream.indirect_vreg.gather @!p0 [hbm4b:s6+s13], $0x80, v4, vm1, $0xb8;
	[tilespmem:$0x14000] =	vst v63  }
0xde: {  	s17 =	simm.s32 @!p0 $0x9800  }
0xdf: {  	[tilespmem:s17], [sflag:$0x3] =	stream.indirect_vreg.gather @!p0 [hbm4b:s7+s13], $0x80, v4, vm1, $0xb8;
	[tilespmem:$0x14000] =	vst v63  }
0xe0: {  	_ =	swait.ge [sflag:s29], $0x2000  }
0xe1: {  	[sflag:s29] =	ssyncset.done $0x0  }
0xe2: {  	s17 =	sadd.s32 $0xC00, s8;
	[sflag:s29] =	ssyncadd.s32 $0xFFFFE000  }
0xe3: {  	[hbm4b:s17+s3] =	stream.linear.scatter [tilespmem:s23], [sflag:$0xC], $0x2000, $0x38;
	[tilespmem:$0x14000] =	vst v63  }
0xe4: {  	s17 =	simm.s32 @!p0 $0xC  }
0xe5: {  	_ =	swait.ge @!p0 [sflag:s17], $0x2000  }
0xe6: {  	[sflag:s17] =	ssyncset.done @!p0 $0x0  }
0xe7: {  	[sflag:s17] =	ssyncadd.s32 @!p0 $0xFFFFE000  }
0xe8: {  	v4 =	vld.msk @!p0 [tilespmem:s18+$0xFFFFFE00], $0xff;
	_ =	sdelay $0x4  }
0xe9: {  	v5 =	vshll.u32 @!p0 v4, $0x3  }
0xea: {  	v4 =	vand.u32 @!p0 $0x7, v4;
	v5 =	vand.u32 @!p0 $0xFFFFFFC0, v5  }
0xeb: {  	v4 =	vor.u32 @!p0 v4, v5  }
0xec: {  	v4 =	vperm.xlane @!p0 v4, v2;
	_ =	sdelay $0x1  }
0xed: {  	v4 =	vadd.s32 @!p0 v3, v4;
	_ =	sdelay $0x3  }
0xee: {  	s17 =	simm.s32 @!p0 $0xA000  }
0xef: {  	[tilespmem:s17], [sflag:$0x4] =	stream.indirect_vreg.gather @!p0 [hbm4b:s2+s13], $0x80, v4, vm1, $0xb8;
	[tilespmem:$0x14000] =	vst v63  }
0xf0: {  	s17 =	simm.s32 @!p0 $0xA800  }
0xf1: {  	[tilespmem:s17], [sflag:$0x4] =	stream.indirect_vreg.gather @!p0 [hbm4b:s5+s13], $0x80, v4, vm1, $0xb8;
	[tilespmem:$0x14000] =	vst v63  }
0xf2: {  	s17 =	simm.s32 @!p0 $0xB000  }
0xf3: {  	[tilespmem:s17], [sflag:$0x4] =	stream.indirect_vreg.gather @!p0 [hbm4b:s6+s13], $0x80, v4, vm1, $0xb8;
	[tilespmem:$0x14000] =	vst v63  }
0xf4: {  	s17 =	simm.s32 @!p0 $0xB800  }
0xf5: {  	[tilespmem:s17], [sflag:$0x4] =	stream.indirect_vreg.gather @!p0 [hbm4b:s7+s13], $0x80, v4, vm1, $0xb8;
	[tilespmem:$0x14000] =	vst v63  }
0xf6: {  	_ =	swait.ge [sflag:s30], $0x2000  }
0xf7: {  	[sflag:s30] =	ssyncset.done $0x0  }
0xf8: {  	s17 =	sadd.s32 $0x1000, s8;
	[sflag:s30] =	ssyncadd.s32 $0xFFFFE000  }
0xf9: {  	[hbm4b:s17+s3] =	stream.linear.scatter [tilespmem:s28], [sflag:$0xD], $0x2000, $0x38;
	[tilespmem:$0x14000] =	vst v63  }
0xfa: {  	s17 =	simm.s32 @!p0 $0xD  }
0xfb: {  	_ =	swait.ge @!p0 [sflag:s17], $0x2000  }
0xfc: {  	[sflag:s17] =	ssyncset.done @!p0 $0x0  }
0xfd: {  	[sflag:s17] =	ssyncadd.s32 @!p0 $0xFFFFE000  }
0xfe: {  	v4 =	vld.msk @!p0 [tilespmem:s18+$0xFFFFFE80], $0xff;
	_ =	sdelay $0x4  }
0xff: {  	v5 =	vshll.u32 @!p0 v4, $0x3  }
0x100: {  	v4 =	vand.u32 @!p0 $0x7, v4;
	v5 =	vand.u32 @!p0 $0xFFFFFFC0, v5  }
0x101: {  	v4 =	vor.u32 @!p0 v4, v5  }
0x102: {  	v4 =	vperm.xlane @!p0 v4, v2;
	_ =	sdelay $0x1  }
0x103: {  	v4 =	vadd.s32 @!p0 v3, v4;
	_ =	sdelay $0x3  }
0x104: {  	s17 =	simm.s32 @!p0 $0xC000  }
0x105: {  	[tilespmem:s17], [sflag:$0x5] =	stream.indirect_vreg.gather @!p0 [hbm4b:s2+s13], $0x80, v4, vm1, $0xb8;
	[tilespmem:$0x14000] =	vst v63  }
0x106: {  	s17 =	simm.s32 @!p0 $0xC800  }
0x107: {  	[tilespmem:s17], [sflag:$0x5] =	stream.indirect_vreg.gather @!p0 [hbm4b:s5+s13], $0x80, v4, vm1, $0xb8;
	[tilespmem:$0x14000] =	vst v63  }
0x108: {  	s17 =	simm.s32 @!p0 $0xD000  }
0x109: {  	[tilespmem:s17], [sflag:$0x5] =	stream.indirect_vreg.gather @!p0 [hbm4b:s6+s13], $0x80, v4, vm1, $0xb8;
	[tilespmem:$0x14000] =	vst v63  }
0x10a: {  	s17 =	simm.s32 @!p0 $0xD800  }
0x10b: {  	[tilespmem:s17], [sflag:$0x5] =	stream.indirect_vreg.gather @!p0 [hbm4b:s7+s13], $0x80, v4, vm1, $0xb8;
	[tilespmem:$0x14000] =	vst v63  }
0x10c: {  	_ =	swait.ge [sflag:s31], $0x2000  }
0x10d: {  	[sflag:s31] =	ssyncset.done $0x0  }
0x10e: {  	s17 =	sadd.s32 $0x1400, s8;
	[sflag:s31] =	ssyncadd.s32 $0xFFFFE000  }
0x10f: {  	[hbm4b:s17+s3] =	stream.linear.scatter [tilespmem:s0], [sflag:$0xE], $0x2000, $0x38;
	[tilespmem:$0x14000] =	vst v63  }
0x110: {  	s17 =	simm.s32 @!p0 $0xE  }
0x111: {  	_ =	swait.ge @!p0 [sflag:s17], $0x2000  }
0x112: {  	[sflag:s17] =	ssyncset.done @!p0 $0x0  }
0x113: {  	[sflag:s17] =	ssyncadd.s32 @!p0 $0xFFFFE000  }
0x114: {  	v4 =	vld.msk @!p0 [tilespmem:s18+$0xFFFFFF00], $0xff;
	_ =	sdelay $0x4  }
0x115: {  	v5 =	vshll.u32 @!p0 v4, $0x3  }
0x116: {  	v4 =	vand.u32 @!p0 $0x7, v4;
	v5 =	vand.u32 @!p0 $0xFFFFFFC0, v5  }
0x117: {  	v4 =	vor.u32 @!p0 v4, v5  }
0x118: {  	v4 =	vperm.xlane @!p0 v4, v2;
	_ =	sdelay $0x1  }
0x119: {  	v4 =	vadd.s32 @!p0 v3, v4;
	_ =	sdelay $0x3  }
0x11a: {  	s17 =	simm.s32 @!p0 $0xE000  }
0x11b: {  	[tilespmem:s17], [sflag:$0x6] =	stream.indirect_vreg.gather @!p0 [hbm4b:s2+s13], $0x80, v4, vm1, $0xb8;
	[tilespmem:$0x14000] =	vst v63  }
0x11c: {  	s17 =	simm.s32 @!p0 $0xE800  }
0x11d: {  	[tilespmem:s17], [sflag:$0x6] =	stream.indirect_vreg.gather @!p0 [hbm4b:s5+s13], $0x80, v4, vm1, $0xb8;
	[tilespmem:$0x14000] =	vst v63  }
0x11e: {  	s17 =	simm.s32 @!p0 $0xF000  }
0x11f: {  	[tilespmem:s17], [sflag:$0x6] =	stream.indirect_vreg.gather @!p0 [hbm4b:s6+s13], $0x80, v4, vm1, $0xb8;
	[tilespmem:$0x14000] =	vst v63  }
0x120: {  	s17 =	simm.s32 @!p0 $0xF800  }
0x121: {  	[tilespmem:s17], [sflag:$0x6] =	stream.indirect_vreg.gather @!p0 [hbm4b:s7+s13], $0x80, v4, vm1, $0xb8;
	[tilespmem:$0x14000] =	vst v63  }
0x122: {  	_ =	swait.ge [sflag:s1], $0x2000  }
0x123: {  	[sflag:s1] =	ssyncset.done $0x0  }
0x124: {  	s17 =	sadd.s32 $0x1800, s8;
	[sflag:s1] =	ssyncadd.s32 $0xFFFFE000  }
0x125: {  	[hbm4b:s17+s3] =	stream.linear.scatter [tilespmem:s14], [sflag:$0xF], $0x2000, $0x38;
	[tilespmem:$0x14000] =	vst v63  }
0x126: {  	s17 =	simm.s32 @!p0 $0xF  }
0x127: {  	_ =	swait.ge @!p0 [sflag:s17], $0x2000  }
0x128: {  	[sflag:s17] =	ssyncset.done @!p0 $0x0  }
0x129: {  	[sflag:s17] =	ssyncadd.s32 @!p0 $0xFFFFE000  }
0x12a: {  	v4 =	vld.msk @!p0 [tilespmem:s18+$0xFFFFFF80], $0xff;
	_ =	sdelay $0x4  }
0x12b: {  	v5 =	vshll.u32 @!p0 v4, $0x3  }
0x12c: {  	v4 =	vand.u32 @!p0 $0x7, v4;
	v5 =	vand.u32 @!p0 $0xFFFFFFC0, v5  }
0x12d: {  	v4 =	vor.u32 @!p0 v4, v5  }
0x12e: {  	v2 =	vperm.xlane @!p0 v4, v2;
	_ =	sdelay $0x1  }
0x12f: {  	v2 =	vadd.s32 @!p0 v3, v2;
	_ =	sdelay $0x3  }
0x130: {  	s17 =	simm.s32 @!p0 $0x10000  }
0x131: {  	[tilespmem:s17], [sflag:$0x7] =	stream.indirect_vreg.gather @!p0 [hbm4b:s2+s13], $0x80, v2, vm1, $0xb8;
	[tilespmem:$0x14000] =	vst v63  }
0x132: {  	s17 =	simm.s32 @!p0 $0x10800  }
0x133: {  	[tilespmem:s17], [sflag:$0x7] =	stream.indirect_vreg.gather @!p0 [hbm4b:s5+s13], $0x80, v2, vm1, $0xb8;
	[tilespmem:$0x14000] =	vst v63  }
0x134: {  	s17 =	simm.s32 @!p0 $0x11000  }
0x135: {  	[tilespmem:s17], [sflag:$0x7] =	stream.indirect_vreg.gather @!p0 [hbm4b:s6+s13], $0x80, v2, vm1, $0xb8;
	[tilespmem:$0x14000] =	vst v63  }
0x136: {  	s17 =	simm.s32 @!p0 $0x11800  }
0x137: {  	[tilespmem:s17], [sflag:$0x7] =	stream.indirect_vreg.gather @!p0 [hbm4b:s7+s13], $0x80, v2, vm1, $0xb8;
	[tilespmem:$0x14000] =	vst v63  }
.Ltmp2:
0x138: {  	_ = 	snop;
	(pc) =	sbr.rel @p0 .LBB2_4-.Ltmp2, $4  }
0x139: {  	_ =	swait.ge [sflag:s12], $0x2000  }
0x13a: {  	[sflag:s12] =	ssyncset.done $0x0  }
0x13b: {  	s8 =	sadd.s32 $0x1C00, s8;
	[sflag:s12] =	ssyncadd.s32 $0xFFFFE000  }
0x13c: {  	[hbm4b:s8+s3] =	stream.linear.scatter [tilespmem:s20], [sflag:$0x10], $0x2000, $0x38;
	[tilespmem:$0x14000] =	vst v63  }
0x13d: {  	_ =	swait.ge [sflag:s16], $0x2000  }
0x13e: {  	[sflag:s16] =	ssyncset.done $0x0  }
0x13f: {  	[sflag:s16] =	ssyncadd.s32 $0xFFFFE000  }
0x140: {  	v2 =	vld.msk [tilespmem:s18+$0x0], $0xff;
	_ =	sdelay $0x4  }
0x141: {  	v3 =	vshll.u32 v2, $0x3  }
0x142: {  	v2 =	vand.u32 $0x7, v2;
	v3 =	vand.u32 $0xFFFFFFC0, v3  }
0x143: {  	v2 =	vor.u32 v2, v3  }
0x144: {  	v2 =	vperm.xlane v2, v0;
	_ =	sdelay $0x1  }
0x145: {  	v2 =	vadd.s32 v1, v2;
	_ =	sdelay $0x4  }
0x146: {  	[tilespmem:s20], [sflag:$0x8] =	stream.indirect_vreg.gather [hbm4b:s2+s3], $0x80, v2, vm0, $0xb8;
	[tilespmem:$0x14000] =	vst v63  }
0x147: {  	_ = 	snop  }
0x148: {  	[tilespmem:s21], [sflag:$0x8] =	stream.indirect_vreg.gather [hbm4b:s5+s3], $0x80, v2, vm0, $0xb8;
	[tilespmem:$0x14000] =	vst v63  }
.Ltmp3:
0x149: {  	_ = 	snop;
	(pc) =	sbr.rel .LBB2_2-.Ltmp3, $4  }
0x14a: {  	_ = 	snop  }
0x14b: {  	[tilespmem:s22], [sflag:$0x8] =	stream.indirect_vreg.gather [hbm4b:s6+s3], $0x80, v2, vm0, $0xb8;
	[tilespmem:$0x14000] =	vst v63  }
0x14c: {  	s4 =	sadd.s32 $0x2000, s4;
	s18 =	sadd.s32 $0x400, s18  }
0x14d: {  	[tilespmem:s24], [sflag:$0x8] =	stream.indirect_vreg.gather [hbm4b:s7+s3], $0x80, v2, vm0, $0xb8;
	[tilespmem:$0x14000] =	vst v63  }
.LBB2_5:
0x14e: {  	_ =	sfence.sel $0x180000  }
0x14f: {  	[bflag:$0x0] =	sbarrier.arrive $0xFFFF  }
0x150: {  	_ =	strace $0x90000047  }
0x151: {  	s0 =	stileid.u32;
	[bflag:$0x2] =	sbarrier.arrive $0xFFFF  }
0x152: {  	p0 =	sne.s32 s0, $0x0;
	s0 =	rddreg [dreg:$0x3]  }
0x153: {  	s0 =	sadd.s32 @!p0 $0x100000, s0  }
0x154: {  	[sflag:s0] =	ssyncadd.tile.s32 @!p0 $0x1;
	_ =	shalt  }
.Lfunc_end2:
_tile_overlayer_lowered:
.L_overlay_start_2:
0x155: {  	(tag) =	ssettag $0x2  }
0x156: {  	s0 =	rddreg [dreg:$0x0];
	s2 =	stileid.u32  }
0x157: {  	s1 =	rddreg [dreg:$0x1];
	p0 =	sne.s32 s2, $0x0  }
0x158: {  	s3 =	rddreg [dreg:$0x2];
	[bflag:$0x3] =	sbarrier.arrive $0xFFFF;
	s2 =	simm.s32 @!p0 $0x1C11  }
0x159: {  	[timem:s3], [sflag:s2] =	dma.local @!p0 [hbm:s0], s1  }
0x15a: {  	s0 =	simm.s32 @!p0 $0x11  }
0x15b: {  	_ =	swait.ge @!p0 [sflag:s0], s1  }
0x15c: {  	s1 =	ssub.s32 @!p0 $0x0, s1;
	[sflag:s0] =	ssyncset.done @!p0 $0x0  }
0x15d: {  	[sflag:s0] =	ssyncadd.s32 @!p0 s1  }
0x15e: {  	[bflag:$0x3] =	sbarrier.arrive $0xFFFF  }
0x15f: {  	_ =	shalt  }

</sc_bundles>
